<compile_context>
chip_gen: v7x
topology: tpu7x:2x2x1
jax: 0.10.2.dev20260603
libtpu: 0.0.44.dev20260713+nightly
codegen_flags: <defaults>
</compile_context>

<pallas_src>
import functools

import jax
import jax.numpy as jnp
from jax import lax
from jax.experimental import pallas as pl
from jax.experimental.pallas import tpu as pltpu
from jax.experimental.pallas import tpu_sc as plsc

D = 128
DA = 144
DH = DA // 2
EC = 128
NC = 2
NS = 16
RING = 4
ROW_BLK = 1000


def _haug_body(x_ref, w_ref, b_ref, out_ref):
    k = pl.program_id(1)
    h = jnp.dot(x_ref[...], w_ref[0], preferred_element_type=jnp.float32)
    h = jnp.maximum(h + b_ref[0], 0.0)
    lane = lax.broadcasted_iota(jnp.int32, (ROW_BLK, DH), 1)
    ones_lane = jnp.logical_and(k == 1, lane >= DH - (DA - D))
    out_ref[0] = jnp.where(ones_lane, 1.0, h)


def _haug(x, mlp_kernel, mlp_bias):
    n = x.shape[0]
    w_aug = jnp.concatenate(
        [mlp_kernel, jnp.zeros((D, DA - D), jnp.float32)], axis=1)
    w_st = w_aug.reshape(D, NC, DH).transpose(1, 0, 2)
    b_st = jnp.concatenate(
        [mlp_bias, jnp.zeros((DA - D,), jnp.float32)]).reshape(NC, 1, DH)
    return pl.pallas_call(
        _haug_body,
        grid=(n // ROW_BLK, NC),
        in_specs=[
            pl.BlockSpec((ROW_BLK, D), lambda i, k: (i, 0)),
            pl.BlockSpec((1, D, DH), lambda i, k: (k, 0, 0)),
            pl.BlockSpec((1, 1, DH), lambda i, k: (k, 0, 0)),
        ],
        out_specs=pl.BlockSpec((1, ROW_BLK, DH), lambda i, k: (k, i, 0)),
        out_shape=jax.ShapeDtypeStruct((NC, n, DH), jnp.float32),
    )(x, w_st, b_st)


def _segment_sum_sc(h2, idx_s, zeros_tbl, n_nodes, t_rows, eps):
    nchunks = eps // EC
    rpt = t_rows // NS
    hpt = n_nodes // NS

    mesh = plsc.VectorSubcoreMesh(core_axis_name="c", subcore_axis_name="s")

    @functools.partial(
        pl.kernel,
        out_type=jax.ShapeDtypeStruct((NC, t_rows, DH), jnp.float32),
        mesh=mesh,
        compiler_params=pltpu.CompilerParams(use_tc_tiling_on_sc=False),
        scratch_types=[
            pltpu.VMEM_SHARED((n_nodes, DH), jnp.float32),
            pltpu.VMEM_SHARED((t_rows, DH), jnp.float32),
            [pltpu.VMEM((2, EC), jnp.int32) for _ in range(RING)],
            [pltpu.VMEM((EC, DH), jnp.float32) for _ in range(RING)],
            [pltpu.SemaphoreType.DMA for _ in range(RING)],
            [pltpu.SemaphoreType.DMA for _ in range(RING)],
        ],
    )
    def k(h_hbm, idx_hbm, z_hbm, out_hbm, htbl, acc, ibufs, gbufs, isems,
          gsems):
        c = lax.axis_index("c")
        s = lax.axis_index("s")
        r0 = s * rpt

        def fire_idx(j, q):
            pltpu.async_copy(idx_hbm.at[s, j], ibufs[q], isems[q])

        def wait_idx(j, q):
            pltpu.make_async_copy(idx_hbm.at[s, j], ibufs[q], isems[q]).wait()

        def fire_gather(j, b):
            pltpu.async_copy(htbl.at[ibufs[b].at[0]], gbufs[b], gsems[b])

        def wait_gather(j, b):
            pltpu.make_async_copy(
                htbl.at[ibufs[b].at[0]], gbufs[b], gsems[b]).wait()

        pltpu.sync_copy(h_hbm.at[c, pl.ds(s * hpt, hpt)],
                        htbl.at[pl.ds(s * hpt, hpt)])
        pltpu.sync_copy(z_hbm.at[pl.ds(r0, rpt)], acc.at[pl.ds(r0, rpt)])
        plsc.subcore_barrier()

        for q in range(RING):
            fire_idx(q, q)
        for b in range(RING - 1):
            wait_idx(b, b)
            fire_gather(b, b)

        def body(i, carry):
            for t in range(RING):
                j = i * RING + t
                wait_gather(j, t)
                pltpu.sync_copy(gbufs[t], acc.at[ibufs[t].at[1]], add=True)
                fire_idx(j + RING, t)
                q2 = (t + RING - 1) % RING
                wait_idx(j + RING - 1, q2)
                fire_gather(j + RING - 1, q2)
            return carry

        lax.fori_loop(0, nchunks // RING, body, 0)
        for m in range(RING - 1):
            wait_gather(nchunks + m, (nchunks + m) % RING)
        wait_idx(nchunks + RING - 1, (nchunks + RING - 1) % RING)
        plsc.subcore_barrier()

        pltpu.sync_copy(acc.at[pl.ds(r0, rpt)], out_hbm.at[c, pl.ds(r0, rpt)])

    return k(h2, idx_s, zeros_tbl)


def _combine_body(p_ref, x_ref, wn_ref, ws_ref, b_ref, out_ref):
    left = p_ref[0]
    right = p_ref[1]
    cnt = jnp.max(right[:, DH - (DA - D):], axis=1, keepdims=True)
    denom = jnp.where(cnt > 0.0, cnt, 1.0)
    r = jnp.concatenate([left, right[:, :DH - (DA - D)]], axis=1) / denom
    fn = jnp.dot(r, wn_ref[...], preferred_element_type=jnp.float32)
    fx = jnp.dot(x_ref[...], ws_ref[...], preferred_element_type=jnp.float32)
    o = jnp.concatenate([fn, fx], axis=1) + b_ref[...]
    out_ref[...] = jnp.maximum(o, 0.0)


def _combine(partials, x, neighs_kernel, self_kernel, bias):
    n = x.shape[0]
    return pl.pallas_call(
        _combine_body,
        grid=(n // ROW_BLK,),
        in_specs=[
            pl.BlockSpec((NC, ROW_BLK, DH), lambda i: (0, i, 0)),
            pl.BlockSpec((ROW_BLK, D), lambda i: (i, 0)),
            pl.BlockSpec((D, D), lambda i: (0, 0)),
            pl.BlockSpec((D, D), lambda i: (0, 0)),
            pl.BlockSpec((1, 2 * D), lambda i: (0, 0)),
        ],
        out_specs=pl.BlockSpec((ROW_BLK, 2 * D), lambda i: (i, 0)),
        out_shape=jax.ShapeDtypeStruct((n, 2 * D), jnp.float32),
    )(partials, x, neighs_kernel, self_kernel, bias.reshape(1, 2 * D))


def kernel(x, edge_index, edge_weight, mlp_kernel, mlp_bias, neighs_kernel,
           self_kernel, bias):
    del edge_weight
    n_nodes = x.shape[0]
    n_edges = edge_index.shape[1]

    eps = -(-n_edges // (NS * EC * RING)) * EC * RING
    epad = NS * eps - n_edges
    t_rows = -(-(n_nodes + 1) // (NS * 8)) * (NS * 8)

    row = edge_index[0]
    col = edge_index[1]
    if epad:
        row = jnp.concatenate([row, jnp.full((epad,), n_nodes, jnp.int32)])
        col = jnp.concatenate([col, jnp.zeros((epad,), jnp.int32)])
    idx_s = jnp.stack(
        [col.reshape(NS, eps // EC, EC), row.reshape(NS, eps // EC, EC)],
        axis=2)
    idx_s = jnp.concatenate(
        [idx_s, jnp.zeros((NS, RING, 2, EC), jnp.int32)], axis=1)

    h2 = _haug(x, mlp_kernel, mlp_bias)
    zeros_tbl = jnp.zeros((t_rows, DH), jnp.float32)
    partials = _segment_sum_sc(h2, idx_s, zeros_tbl, n_nodes, t_rows, eps)
    return _combine(partials, x, neighs_kernel, self_kernel, bias)

# --- scband reference (transcript-rebuilt; emitter-appended) ---
"""Pipeline reference for scband-mean-pooling-aggregator-37254546326091 (READ-ONLY COPY).

The authoritative reference and input builder live on the scoring server;
editing this copy changes nothing except your own understanding.
"""

import jax, jax.numpy as jnp
import numpy as np

N_NODES = 10000
N_EDGES = 320000
D_FEAT = 128
UNITS = 128


def _glorot(key, shape):
    fan_in, fan_out = shape[0], shape[1]
    limit = np.sqrt(6.0 / (fan_in + fan_out))
    return jax.random.uniform(key, shape, minval=-limit, maxval=limit, dtype=jnp.float32)


def setup_inputs(seed: int = 0) -> dict:
    key = jax.random.key(seed)
    ks = jax.random.split(key, 8)
    x = jax.random.normal(ks[0], (N_NODES, D_FEAT), dtype=jnp.float32)
    edge_index = jax.random.randint(ks[1], (2, N_EDGES), 0, N_NODES, dtype=jnp.int32)
    edge_weight = jax.random.uniform(ks[2], (N_EDGES,), dtype=jnp.float32)
    mlp_kernel = _glorot(ks[3], (D_FEAT, UNITS))
    mlp_bias = jnp.zeros((UNITS,), dtype=jnp.float32)
    neighs_kernel = _glorot(ks[4], (UNITS, UNITS))
    self_kernel = _glorot(ks[5], (D_FEAT, UNITS))
    bias = jnp.zeros((UNITS * 2,), dtype=jnp.float32)
    return {
        "x": x,
        "edge_index": edge_index,
        "edge_weight": edge_weight,
        "mlp_kernel": mlp_kernel,
        "mlp_bias": mlp_bias,
        "neighs_kernel": neighs_kernel,
        "self_kernel": self_kernel,
        "bias": bias,
    }


def reference(x, edge_index, edge_weight, mlp_kernel, mlp_bias, neighs_kernel, self_kernel, bias):
    # Faithful translation of MeanPooling_Aggregator.call (inference, dropout no-op).
    # Note: original code OVERWRITES a provided edge_weight with ones.
    num_edges = edge_index.shape[1]
    ew = jnp.ones((num_edges,), dtype=jnp.float32)
    row = edge_index[0]
    col = edge_index[1]
    neighbor_x = jnp.take(x, col, axis=0)  # gather
    # gcn_mapper: neighbor_x * edge_weight[:, None]
    neighbor_x = neighbor_x * ew[:, None]
    h = neighbor_x @ mlp_kernel + mlp_bias
    h = jax.nn.relu(h)
    # unsorted_segment_mean over destination (row) nodes
    num_nodes = x.shape[0]
    sums = jax.ops.segment_sum(h, row, num_segments=num_nodes)
    counts = jax.ops.segment_sum(jnp.ones((num_edges,), dtype=h.dtype), row, num_segments=num_nodes)
    reduced_h = sums / jnp.where(counts > 0, counts, 1.0)[:, None]
    from_neighs = reduced_h @ neighs_kernel
    from_x = x @ self_kernel
    output = jnp.concatenate([from_neighs, from_x], axis=1)
    output = output + bias
    output = jax.nn.relu(output)
    return output

if __name__ == "__main__":
    import jax
    _d = setup_inputs()
    print(jax.jit(kernel)(*tuple(_d.values())))

</pallas_src>

<mosaic_0001>
#map = affine_map<(d0, d1) -> (0, 0, 0)>
#map1 = affine_map<(d0, d1) -> (0, 0, 0, 0)>
#map2 = affine_map<(d0, d1) -> (0, 0)>
module attributes {stable_mosaic.version = 14 : i64} {
  func.func @k(%arg0: i32, %arg1: i32, %arg2: memref<2x10000x72xf32, #tpu.memory_space<hbm>>, %arg3: memref<16x164x2x128xi32, #tpu.memory_space<hbm>>, %arg4: memref<10112x72xf32, #tpu.memory_space<hbm>>, %arg5: memref<2x10112x72xf32, #tpu.memory_space<hbm>>, %arg6: memref<10000x72xf32, #tpu.memory_space<vmem_shared>>, %arg7: memref<10112x72xf32, #tpu.memory_space<vmem_shared>>, %arg8: memref<2x128xi32, #tpu.memory_space<vmem>>, %arg9: memref<2x128xi32, #tpu.memory_space<vmem>>, %arg10: memref<2x128xi32, #tpu.memory_space<vmem>>, %arg11: memref<2x128xi32, #tpu.memory_space<vmem>>, %arg12: memref<128x72xf32, #tpu.memory_space<vmem>>, %arg13: memref<128x72xf32, #tpu.memory_space<vmem>>, %arg14: memref<128x72xf32, #tpu.memory_space<vmem>>, %arg15: memref<128x72xf32, #tpu.memory_space<vmem>>, %arg16: memref<!tpu.dma_semaphore, #tpu.memory_space<semaphore_mem>>, %arg17: memref<!tpu.dma_semaphore, #tpu.memory_space<semaphore_mem>>, %arg18: memref<!tpu.dma_semaphore, #tpu.memory_space<semaphore_mem>>, %arg19: memref<!tpu.dma_semaphore, #tpu.memory_space<semaphore_mem>>, %arg20: memref<!tpu.dma_semaphore, #tpu.memory_space<semaphore_mem>>, %arg21: memref<!tpu.dma_semaphore, #tpu.memory_space<semaphore_mem>>, %arg22: memref<!tpu.dma_semaphore, #tpu.memory_space<semaphore_mem>>, %arg23: memref<!tpu.dma_semaphore, #tpu.memory_space<semaphore_mem>>) attributes {dimension_semantics = [#tpu.dimension_semantics<core_parallel>, #tpu.dimension_semantics<subcore_parallel>], iteration_bounds = array<i64: 2, 16>, scalar_prefetch = 0 : i64, scratch_operands = 18 : i64, tpu.core_type = #tpu.core_type<sc_vector_subcore>, window_params = [{transform_indices = #map}, {transform_indices = #map1}, {transform_indices = #map2}, {transform_indices = #map}]} {
    %mul3A = arith.constant 632 : i32
    %mul3A_0 = arith.muli %arg1, %mul3A : i32
    %mul3A_1 = arith.constant 625 : i32
    %mul3A_2 = arith.muli %arg1, %mul3A_1 : i32
    %mul3A_3 = arith.constant 625 : i32
    %mul3A_4 = arith.muli %arg1, %mul3A_3 : i32
    "tpu.region"() ({
      %run_scoped3A = tpu.sem_alloc : memref<!tpu.dma_semaphore, #tpu.memory_space<semaphore_mem>>
      %dma_start3A_123 = arith.constant 0 : i32
      %dma_start3A_124 = tpu.memref_slice %arg6[%mul3A_4, %dma_start3A_123] : memref<10000x72xf32, #tpu.memory_space<vmem_shared>> -> memref<625x72xf32, #tpu.memory_space<vmem_shared>>
      %dma_start3A_125 = arith.constant 0 : i32
      %dma_start3A_126 = tpu.memref_slice %arg2[%arg0, %mul3A_2, %dma_start3A_125] : memref<2x10000x72xf32, #tpu.memory_space<hbm>> -> memref<1x625x72xf32, #tpu.memory_space<hbm>>
      %dma_start3A_127 = tpu.memref_squeeze %dma_start3A_126 : memref<1x625x72xf32, #tpu.memory_space<hbm>> -> memref<625x72xf32, #tpu.memory_space<hbm>>
      tpu.enqueue_dma source(%dma_start3A_127 : memref<625x72xf32, #tpu.memory_space<hbm>>) target(%dma_start3A_124 : memref<625x72xf32, #tpu.memory_space<vmem_shared>>) target_semaphore(%run_scoped3A : memref<!tpu.dma_semaphore, #tpu.memory_space<semaphore_mem>>)
      %dma_wait3A_128 = arith.constant 0 : i32
      %dma_wait3A_129 = tpu.memref_slice %arg6[%mul3A_4, %dma_wait3A_128] : memref<10000x72xf32, #tpu.memory_space<vmem_shared>> -> memref<625x72xf32, #tpu.memory_space<vmem_shared>>
      %dma_wait3A_130 = arith.constant 0 : i32
      %dma_wait3A_131 = tpu.memref_slice %arg2[%arg0, %mul3A_2, %dma_wait3A_130] : memref<2x10000x72xf32, #tpu.memory_space<hbm>> -> memref<1x625x72xf32, #tpu.memory_space<hbm>>
      %dma_wait3A_132 = tpu.memref_squeeze %dma_wait3A_131 : memref<1x625x72xf32, #tpu.memory_space<hbm>> -> memref<625x72xf32, #tpu.memory_space<hbm>>
      tpu.wait_dma2 semaphore(%run_scoped3A : memref<!tpu.dma_semaphore, #tpu.memory_space<semaphore_mem>>) src(%dma_wait3A_132 : memref<625x72xf32, #tpu.memory_space<hbm>>) dst(%dma_wait3A_129 : memref<625x72xf32, #tpu.memory_space<vmem_shared>>)
      tpu.yield
    }) : () -> ()
    "tpu.region"() ({
      %run_scoped3A = tpu.sem_alloc : memref<!tpu.dma_semaphore, #tpu.memory_space<semaphore_mem>>
      %dma_start3A_123 = arith.constant 0 : i32
      %dma_start3A_124 = tpu.memref_slice %arg7[%mul3A_0, %dma_start3A_123] : memref<10112x72xf32, #tpu.memory_space<vmem_shared>> -> memref<632x72xf32, #tpu.memory_space<vmem_shared>>
      %dma_start3A_125 = arith.constant 0 : i32
      %dma_start3A_126 = tpu.memref_slice %arg4[%mul3A_0, %dma_start3A_125] : memref<10112x72xf32, #tpu.memory_space<hbm>> -> memref<632x72xf32, #tpu.memory_space<hbm>>
      tpu.enqueue_dma source(%dma_start3A_126 : memref<632x72xf32, #tpu.memory_space<hbm>>) target(%dma_start3A_124 : memref<632x72xf32, #tpu.memory_space<vmem_shared>>) target_semaphore(%run_scoped3A : memref<!tpu.dma_semaphore, #tpu.memory_space<semaphore_mem>>)
      %dma_wait3A_127 = arith.constant 0 : i32
      %dma_wait3A_128 = tpu.memref_slice %arg7[%mul3A_0, %dma_wait3A_127] : memref<10112x72xf32, #tpu.memory_space<vmem_shared>> -> memref<632x72xf32, #tpu.memory_space<vmem_shared>>
      %dma_wait3A_129 = arith.constant 0 : i32
      %dma_wait3A_130 = tpu.memref_slice %arg4[%mul3A_0, %dma_wait3A_129] : memref<10112x72xf32, #tpu.memory_space<hbm>> -> memref<632x72xf32, #tpu.memory_space<hbm>>
      tpu.wait_dma2 semaphore(%run_scoped3A : memref<!tpu.dma_semaphore, #tpu.memory_space<semaphore_mem>>) src(%dma_wait3A_130 : memref<632x72xf32, #tpu.memory_space<hbm>>) dst(%dma_wait3A_128 : memref<632x72xf32, #tpu.memory_space<vmem_shared>>)
      tpu.yield
    }) : () -> ()
    %barrier3A = arith.constant 0 : index
    tpu.barrier barrier_id(%barrier3A)
    %dma_start3A = arith.constant 0 : i32
    %dma_start3A_5 = arith.constant 0 : i32
    %dma_start3A_6 = arith.constant 0 : i32
    %dma_start3A_7 = tpu.memref_slice %arg3[%arg1, %dma_start3A, %dma_start3A_5, %dma_start3A_6] : memref<16x164x2x128xi32, #tpu.memory_space<hbm>> -> memref<1x1x2x128xi32, #tpu.memory_space<hbm>>
    %dma_start3A_8 = tpu.memref_squeeze %dma_start3A_7 : memref<1x1x2x128xi32, #tpu.memory_space<hbm>> -> memref<2x128xi32, #tpu.memory_space<hbm>>
    %dma_start3A_9 = arith.constant 0 : i32
    %dma_start3A_10 = arith.constant 0 : i32
    %dma_start3A_11 = tpu.memref_slice %arg3[%arg1, %dma_start3A, %dma_start3A_9, %dma_start3A_10] : memref<16x164x2x128xi32, #tpu.memory_space<hbm>> -> memref<1x1x2x128xi32, #tpu.memory_space<hbm>>
    %dma_start3A_12 = tpu.memref_squeeze %dma_start3A_11 : memref<1x1x2x128xi32, #tpu.memory_space<hbm>> -> memref<2x128xi32, #tpu.memory_space<hbm>>
    tpu.enqueue_dma source(%dma_start3A_12 : memref<2x128xi32, #tpu.memory_space<hbm>>) target(%arg8 : memref<2x128xi32, #tpu.memory_space<vmem>>) target_semaphore(%arg16 : memref<!tpu.dma_semaphore, #tpu.memory_space<semaphore_mem>>)
    %dma_start3A_13 = arith.constant 1 : i32
    %dma_start3A_14 = arith.constant 0 : i32
    %dma_start3A_15 = arith.constant 0 : i32
    %dma_start3A_16 = tpu.memref_slice %arg3[%arg1, %dma_start3A_13, %dma_start3A_14, %dma_start3A_15] : memref<16x164x2x128xi32, #tpu.memory_space<hbm>> -> memref<1x1x2x128xi32, #tpu.memory_space<hbm>>
    %dma_start3A_17 = tpu.memref_squeeze %dma_start3A_16 : memref<1x1x2x128xi32, #tpu.memory_space<hbm>> -> memref<2x128xi32, #tpu.memory_space<hbm>>
    %dma_start3A_18 = arith.constant 0 : i32
    %dma_start3A_19 = arith.constant 0 : i32
    %dma_start3A_20 = tpu.memref_slice %arg3[%arg1, %dma_start3A_13, %dma_start3A_18, %dma_start3A_19] : memref<16x164x2x128xi32, #tpu.memory_space<hbm>> -> memref<1x1x2x128xi32, #tpu.memory_space<hbm>>
    %dma_start3A_21 = tpu.memref_squeeze %dma_start3A_20 : memref<1x1x2x128xi32, #tpu.memory_space<hbm>> -> memref<2x128xi32, #tpu.memory_space<hbm>>
    tpu.enqueue_dma source(%dma_start3A_21 : memref<2x128xi32, #tpu.memory_space<hbm>>) target(%arg9 : memref<2x128xi32, #tpu.memory_space<vmem>>) target_semaphore(%arg17 : memref<!tpu.dma_semaphore, #tpu.memory_space<semaphore_mem>>)
    %dma_start3A_22 = arith.constant 2 : i32
    %dma_start3A_23 = arith.constant 0 : i32
    %dma_start3A_24 = arith.constant 0 : i32
    %dma_start3A_25 = tpu.memref_slice %arg3[%arg1, %dma_start3A_22, %dma_start3A_23, %dma_start3A_24] : memref<16x164x2x128xi32, #tpu.memory_space<hbm>> -> memref<1x1x2x128xi32, #tpu.memory_space<hbm>>
    %dma_start3A_26 = tpu.memref_squeeze %dma_start3A_25 : memref<1x1x2x128xi32, #tpu.memory_space<hbm>> -> memref<2x128xi32, #tpu.memory_space<hbm>>
    %dma_start3A_27 = arith.constant 0 : i32
    %dma_start3A_28 = arith.constant 0 : i32
    %dma_start3A_29 = tpu.memref_slice %arg3[%arg1, %dma_start3A_22, %dma_start3A_27, %dma_start3A_28] : memref<16x164x2x128xi32, #tpu.memory_space<hbm>> -> memref<1x1x2x128xi32, #tpu.memory_space<hbm>>
    %dma_start3A_30 = tpu.memref_squeeze %dma_start3A_29 : memref<1x1x2x128xi32, #tpu.memory_space<hbm>> -> memref<2x128xi32, #tpu.memory_space<hbm>>
    tpu.enqueue_dma source(%dma_start3A_30 : memref<2x128xi32, #tpu.memory_space<hbm>>) target(%arg10 : memref<2x128xi32, #tpu.memory_space<vmem>>) target_semaphore(%arg18 : memref<!tpu.dma_semaphore, #tpu.memory_space<semaphore_mem>>)
    %dma_start3A_31 = arith.constant 3 : i32
    %dma_start3A_32 = arith.constant 0 : i32
    %dma_start3A_33 = arith.constant 0 : i32
    %dma_start3A_34 = tpu.memref_slice %arg3[%arg1, %dma_start3A_31, %dma_start3A_32, %dma_start3A_33] : memref<16x164x2x128xi32, #tpu.memory_space<hbm>> -> memref<1x1x2x128xi32, #tpu.memory_space<hbm>>
    %dma_start3A_35 = tpu.memref_squeeze %dma_start3A_34 : memref<1x1x2x128xi32, #tpu.memory_space<hbm>> -> memref<2x128xi32, #tpu.memory_space<hbm>>
    %dma_start3A_36 = arith.constant 0 : i32
    %dma_start3A_37 = arith.constant 0 : i32
    %dma_start3A_38 = tpu.memref_slice %arg3[%arg1, %dma_start3A_31, %dma_start3A_36, %dma_start3A_37] : memref<16x164x2x128xi32, #tpu.memory_space<hbm>> -> memref<1x1x2x128xi32, #tpu.memory_space<hbm>>
    %dma_start3A_39 = tpu.memref_squeeze %dma_start3A_38 : memref<1x1x2x128xi32, #tpu.memory_space<hbm>> -> memref<2x128xi32, #tpu.memory_space<hbm>>
    tpu.enqueue_dma source(%dma_start3A_39 : memref<2x128xi32, #tpu.memory_space<hbm>>) target(%arg11 : memref<2x128xi32, #tpu.memory_space<vmem>>) target_semaphore(%arg19 : memref<!tpu.dma_semaphore, #tpu.memory_space<semaphore_mem>>)
    %dma_wait3A = arith.constant 0 : i32
    %dma_wait3A_40 = arith.constant 0 : i32
    %dma_wait3A_41 = arith.constant 0 : i32
    %dma_wait3A_42 = tpu.memref_slice %arg3[%arg1, %dma_wait3A, %dma_wait3A_40, %dma_wait3A_41] : memref<16x164x2x128xi32, #tpu.memory_space<hbm>> -> memref<1x1x2x128xi32, #tpu.memory_space<hbm>>
    %dma_wait3A_43 = tpu.memref_squeeze %dma_wait3A_42 : memref<1x1x2x128xi32, #tpu.memory_space<hbm>> -> memref<2x128xi32, #tpu.memory_space<hbm>>
    %dma_wait3A_44 = arith.constant 0 : i32
    %dma_wait3A_45 = arith.constant 0 : i32
    %dma_wait3A_46 = tpu.memref_slice %arg3[%arg1, %dma_wait3A, %dma_wait3A_44, %dma_wait3A_45] : memref<16x164x2x128xi32, #tpu.memory_space<hbm>> -> memref<1x1x2x128xi32, #tpu.memory_space<hbm>>
    %dma_wait3A_47 = tpu.memref_squeeze %dma_wait3A_46 : memref<1x1x2x128xi32, #tpu.memory_space<hbm>> -> memref<2x128xi32, #tpu.memory_space<hbm>>
    tpu.wait_dma2 semaphore(%arg16 : memref<!tpu.dma_semaphore, #tpu.memory_space<semaphore_mem>>) src(%dma_wait3A_47 : memref<2x128xi32, #tpu.memory_space<hbm>>) dst(%arg8 : memref<2x128xi32, #tpu.memory_space<vmem>>)
    %dma_start3A_48 = arith.constant 0 : i32
    %dma_start3A_49 = arith.constant 0 : i32
    %dma_start3A_50 = tpu.memref_slice %arg8[%dma_start3A_48, %dma_start3A_49] : memref<2x128xi32, #tpu.memory_space<vmem>> -> memref<1x128xi32, #tpu.memory_space<vmem>>
    %dma_start3A_51 = tpu.memref_squeeze %dma_start3A_50 : memref<1x128xi32, #tpu.memory_space<vmem>> -> memref<128xi32, #tpu.memory_space<vmem>>
    %dma_start3A_52 = arith.constant 0 : i32
    %dma_start3A_53 = arith.constant 0 : i32
    %dma_start3A_54 = tpu.memref_slice %arg6[%dma_start3A_52, %dma_start3A_53] : memref<10000x72xf32, #tpu.memory_space<vmem_shared>> -> memref<10000x72xf32, #tpu.memory_space<vmem_shared>>
    tpu.enqueue_indirect_dma source(%dma_start3A_54 : memref<10000x72xf32, #tpu.memory_space<vmem_shared>>) target(%arg12 : memref<128x72xf32, #tpu.memory_space<vmem>>) offsets(%dma_start3A_51 : memref<128xi32, #tpu.memory_space<vmem>>) semaphore(%arg20 : memref<!tpu.dma_semaphore, #tpu.memory_space<semaphore_mem>>)
    %dma_wait3A_55 = arith.constant 1 : i32
    %dma_wait3A_56 = arith.constant 0 : i32
    %dma_wait3A_57 = arith.constant 0 : i32
    %dma_wait3A_58 = tpu.memref_slice %arg3[%arg1, %dma_wait3A_55, %dma_wait3A_56, %dma_wait3A_57] : memref<16x164x2x128xi32, #tpu.memory_space<hbm>> -> memref<1x1x2x128xi32, #tpu.memory_space<hbm>>
    %dma_wait3A_59 = tpu.memref_squeeze %dma_wait3A_58 : memref<1x1x2x128xi32, #tpu.memory_space<hbm>> -> memref<2x128xi32, #tpu.memory_space<hbm>>
    %dma_wait3A_60 = arith.constant 0 : i32
    %dma_wait3A_61 = arith.constant 0 : i32
    %dma_wait3A_62 = tpu.memref_slice %arg3[%arg1, %dma_wait3A_55, %dma_wait3A_60, %dma_wait3A_61] : memref<16x164x2x128xi32, #tpu.memory_space<hbm>> -> memref<1x1x2x128xi32, #tpu.memory_space<hbm>>
    %dma_wait3A_63 = tpu.memref_squeeze %dma_wait3A_62 : memref<1x1x2x128xi32, #tpu.memory_space<hbm>> -> memref<2x128xi32, #tpu.memory_space<hbm>>
    tpu.wait_dma2 semaphore(%arg17 : memref<!tpu.dma_semaphore, #tpu.memory_space<semaphore_mem>>) src(%dma_wait3A_63 : memref<2x128xi32, #tpu.memory_space<hbm>>) dst(%arg9 : memref<2x128xi32, #tpu.memory_space<vmem>>)
    %dma_start3A_64 = arith.constant 0 : i32
    %dma_start3A_65 = arith.constant 0 : i32
    %dma_start3A_66 = tpu.memref_slice %arg9[%dma_start3A_64, %dma_start3A_65] : memref<2x128xi32, #tpu.memory_space<vmem>> -> memref<1x128xi32, #tpu.memory_space<vmem>>
    %dma_start3A_67 = tpu.memref_squeeze %dma_start3A_66 : memref<1x128xi32, #tpu.memory_space<vmem>> -> memref<128xi32, #tpu.memory_space<vmem>>
    %dma_start3A_68 = arith.constant 0 : i32
    %dma_start3A_69 = arith.constant 0 : i32
    %dma_start3A_70 = tpu.memref_slice %arg6[%dma_start3A_68, %dma_start3A_69] : memref<10000x72xf32, #tpu.memory_space<vmem_shared>> -> memref<10000x72xf32, #tpu.memory_space<vmem_shared>>
    tpu.enqueue_indirect_dma source(%dma_start3A_70 : memref<10000x72xf32, #tpu.memory_space<vmem_shared>>) target(%arg13 : memref<128x72xf32, #tpu.memory_space<vmem>>) offsets(%dma_start3A_67 : memref<128xi32, #tpu.memory_space<vmem>>) semaphore(%arg21 : memref<!tpu.dma_semaphore, #tpu.memory_space<semaphore_mem>>)
    %dma_wait3A_71 = arith.constant 2 : i32
    %dma_wait3A_72 = arith.constant 0 : i32
    %dma_wait3A_73 = arith.constant 0 : i32
    %dma_wait3A_74 = tpu.memref_slice %arg3[%arg1, %dma_wait3A_71, %dma_wait3A_72, %dma_wait3A_73] : memref<16x164x2x128xi32, #tpu.memory_space<hbm>> -> memref<1x1x2x128xi32, #tpu.memory_space<hbm>>
    %dma_wait3A_75 = tpu.memref_squeeze %dma_wait3A_74 : memref<1x1x2x128xi32, #tpu.memory_space<hbm>> -> memref<2x128xi32, #tpu.memory_space<hbm>>
    %dma_wait3A_76 = arith.constant 0 : i32
    %dma_wait3A_77 = arith.constant 0 : i32
    %dma_wait3A_78 = tpu.memref_slice %arg3[%arg1, %dma_wait3A_71, %dma_wait3A_76, %dma_wait3A_77] : memref<16x164x2x128xi32, #tpu.memory_space<hbm>> -> memref<1x1x2x128xi32, #tpu.memory_space<hbm>>
    %dma_wait3A_79 = tpu.memref_squeeze %dma_wait3A_78 : memref<1x1x2x128xi32, #tpu.memory_space<hbm>> -> memref<2x128xi32, #tpu.memory_space<hbm>>
    tpu.wait_dma2 semaphore(%arg18 : memref<!tpu.dma_semaphore, #tpu.memory_space<semaphore_mem>>) src(%dma_wait3A_79 : memref<2x128xi32, #tpu.memory_space<hbm>>) dst(%arg10 : memref<2x128xi32, #tpu.memory_space<vmem>>)
    %dma_start3A_80 = arith.constant 0 : i32
    %dma_start3A_81 = arith.constant 0 : i32
    %dma_start3A_82 = tpu.memref_slice %arg10[%dma_start3A_80, %dma_start3A_81] : memref<2x128xi32, #tpu.memory_space<vmem>> -> memref<1x128xi32, #tpu.memory_space<vmem>>
    %dma_start3A_83 = tpu.memref_squeeze %dma_start3A_82 : memref<1x128xi32, #tpu.memory_space<vmem>> -> memref<128xi32, #tpu.memory_space<vmem>>
    %dma_start3A_84 = arith.constant 0 : i32
    %dma_start3A_85 = arith.constant 0 : i32
    %dma_start3A_86 = tpu.memref_slice %arg6[%dma_start3A_84, %dma_start3A_85] : memref<10000x72xf32, #tpu.memory_space<vmem_shared>> -> memref<10000x72xf32, #tpu.memory_space<vmem_shared>>
    tpu.enqueue_indirect_dma source(%dma_start3A_86 : memref<10000x72xf32, #tpu.memory_space<vmem_shared>>) target(%arg14 : memref<128x72xf32, #tpu.memory_space<vmem>>) offsets(%dma_start3A_83 : memref<128xi32, #tpu.memory_space<vmem>>) semaphore(%arg22 : memref<!tpu.dma_semaphore, #tpu.memory_space<semaphore_mem>>)
    %scan3A = arith.constant 0 : i32
    %scan3A_87 = arith.constant 0 : i32
    %scan3A_88 = arith.constant 40 : i32
    %scan3A_89 = arith.addi %scan3A_87, %scan3A_88 : i32
    %scan3A_90 = arith.constant 1 : i32
    scf.for %scan3A_123 = %scan3A_87 to %scan3A_89 step %scan3A_90  : i32 {
      %mul3A_124 = arith.constant 4 : i32
      %mul3A_125 = arith.muli %scan3A_123, %mul3A_124 : i32
      %add3A = arith.constant 0 : i32
      %add3A_126 = arith.addi %mul3A_125, %add3A : i32
      %dma_wait3A_127 = arith.constant 0 : i32
      %dma_wait3A_128 = arith.constant 0 : i32
      %dma_wait3A_129 = tpu.memref_slice %arg8[%dma_wait3A_127, %dma_wait3A_128] : memref<2x128xi32, #tpu.memory_space<vmem>> -> memref<1x128xi32, #tpu.memory_space<vmem>>
      %dma_wait3A_130 = tpu.memref_squeeze %dma_wait3A_129 : memref<1x128xi32, #tpu.memory_space<vmem>> -> memref<128xi32, #tpu.memory_space<vmem>>
      %dma_wait3A_131 = arith.constant 0 : i32
      %dma_wait3A_132 = arith.constant 0 : i32
      %dma_wait3A_133 = tpu.memref_slice %arg6[%dma_wait3A_131, %dma_wait3A_132] : memref<10000x72xf32, #tpu.memory_space<vmem_shared>> -> memref<10000x72xf32, #tpu.memory_space<vmem_shared>>
      tpu.wait_indirect_dma semaphore(%arg20 : memref<!tpu.dma_semaphore, #tpu.memory_space<semaphore_mem>>) src(%dma_wait3A_133 : memref<10000x72xf32, #tpu.memory_space<vmem_shared>>) dst(%arg12 : memref<128x72xf32, #tpu.memory_space<vmem>>)
      %run_scoped3A = arith.constant 1 : i32
      "tpu.region"() ({
        %run_scoped3A_301 = tpu.sem_alloc : memref<!tpu.dma_semaphore, #tpu.memory_space<semaphore_mem>>
        %dma_start3A_302 = arith.constant 0 : i32
        %dma_start3A_303 = tpu.memref_slice %arg8[%run_scoped3A, %dma_start3A_302] : memref<2x128xi32, #tpu.memory_space<vmem>> -> memref<1x128xi32, #tpu.memory_space<vmem>>
        %dma_start3A_304 = tpu.memref_squeeze %dma_start3A_303 : memref<1x128xi32, #tpu.memory_space<vmem>> -> memref<128xi32, #tpu.memory_space<vmem>>
        %dma_start3A_305 = arith.constant 0 : i32
        %dma_start3A_306 = arith.constant 0 : i32
        %dma_start3A_307 = tpu.memref_slice %arg7[%dma_start3A_305, %dma_start3A_306] : memref<10112x72xf32, #tpu.memory_space<vmem_shared>> -> memref<10112x72xf32, #tpu.memory_space<vmem_shared>>
        tpu.enqueue_indirect_dma source(%arg12 : memref<128x72xf32, #tpu.memory_space<vmem>>) target(%dma_start3A_307 : memref<10112x72xf32, #tpu.memory_space<vmem_shared>>) offsets(%dma_start3A_304 : memref<128xi32, #tpu.memory_space<vmem>>) semaphore(%run_scoped3A_301 : memref<!tpu.dma_semaphore, #tpu.memory_space<semaphore_mem>>) {add = true}
        %dma_wait3A_308 = arith.constant 0 : i32
        %dma_wait3A_309 = tpu.memref_slice %arg8[%run_scoped3A, %dma_wait3A_308] : memref<2x128xi32, #tpu.memory_space<vmem>> -> memref<1x128xi32, #tpu.memory_space<vmem>>
        %dma_wait3A_310 = tpu.memref_squeeze %dma_wait3A_309 : memref<1x128xi32, #tpu.memory_space<vmem>> -> memref<128xi32, #tpu.memory_space<vmem>>
        %dma_wait3A_311 = arith.constant 0 : i32
        %dma_wait3A_312 = arith.constant 0 : i32
        %dma_wait3A_313 = tpu.memref_slice %arg7[%dma_wait3A_311, %dma_wait3A_312] : memref<10112x72xf32, #tpu.memory_space<vmem_shared>> -> memref<10112x72xf32, #tpu.memory_space<vmem_shared>>
        tpu.wait_indirect_dma semaphore(%run_scoped3A_301 : memref<!tpu.dma_semaphore, #tpu.memory_space<semaphore_mem>>) src(%arg12 : memref<128x72xf32, #tpu.memory_space<vmem>>) dst(%dma_wait3A_313 : memref<10112x72xf32, #tpu.memory_space<vmem_shared>>)
        tpu.yield
      }) : () -> ()
      %add3A_134 = arith.constant 4 : i32
      %add3A_135 = arith.addi %add3A_126, %add3A_134 : i32
      %dma_start3A_136 = arith.constant 0 : i32
      %dma_start3A_137 = arith.constant 0 : i32
      %dma_start3A_138 = tpu.memref_slice %arg3[%arg1, %add3A_135, %dma_start3A_136, %dma_start3A_137] : memref<16x164x2x128xi32, #tpu.memory_space<hbm>> -> memref<1x1x2x128xi32, #tpu.memory_space<hbm>>
      %dma_start3A_139 = tpu.memref_squeeze %dma_start3A_138 : memref<1x1x2x128xi32, #tpu.memory_space<hbm>> -> memref<2x128xi32, #tpu.memory_space<hbm>>
      %dma_start3A_140 = arith.constant 0 : i32
      %dma_start3A_141 = arith.constant 0 : i32
      %dma_start3A_142 = tpu.memref_slice %arg3[%arg1, %add3A_135, %dma_start3A_140, %dma_start3A_141] : memref<16x164x2x128xi32, #tpu.memory_space<hbm>> -> memref<1x1x2x128xi32, #tpu.memory_space<hbm>>
      %dma_start3A_143 = tpu.memref_squeeze %dma_start3A_142 : memref<1x1x2x128xi32, #tpu.memory_space<hbm>> -> memref<2x128xi32, #tpu.memory_space<hbm>>
      tpu.enqueue_dma source(%dma_start3A_143 : memref<2x128xi32, #tpu.memory_space<hbm>>) target(%arg8 : memref<2x128xi32, #tpu.memory_space<vmem>>) target_semaphore(%arg16 : memref<!tpu.dma_semaphore, #tpu.memory_space<semaphore_mem>>)
      %add3A_144 = arith.constant 4 : i32
      %add3A_145 = arith.addi %add3A_126, %add3A_144 : i32
      %sub3A = arith.constant 1 : i32
      %sub3A_146 = arith.subi %add3A_145, %sub3A : i32
      %dma_wait3A_147 = arith.constant 0 : i32
      %dma_wait3A_148 = arith.constant 0 : i32
      %dma_wait3A_149 = tpu.memref_slice %arg3[%arg1, %sub3A_146, %dma_wait3A_147, %dma_wait3A_148] : memref<16x164x2x128xi32, #tpu.memory_space<hbm>> -> memref<1x1x2x128xi32, #tpu.memory_space<hbm>>
      %dma_wait3A_150 = tpu.memref_squeeze %dma_wait3A_149 : memref<1x1x2x128xi32, #tpu.memory_space<hbm>> -> memref<2x128xi32, #tpu.memory_space<hbm>>
      %dma_wait3A_151 = arith.constant 0 : i32
      %dma_wait3A_152 = arith.constant 0 : i32
      %dma_wait3A_153 = tpu.memref_slice %arg3[%arg1, %sub3A_146, %dma_wait3A_151, %dma_wait3A_152] : memref<16x164x2x128xi32, #tpu.memory_space<hbm>> -> memref<1x1x2x128xi32, #tpu.memory_space<hbm>>
      %dma_wait3A_154 = tpu.memref_squeeze %dma_wait3A_153 : memref<1x1x2x128xi32, #tpu.memory_space<hbm>> -> memref<2x128xi32, #tpu.memory_space<hbm>>
      tpu.wait_dma2 semaphore(%arg19 : memref<!tpu.dma_semaphore, #tpu.memory_space<semaphore_mem>>) src(%dma_wait3A_154 : memref<2x128xi32, #tpu.memory_space<hbm>>) dst(%arg11 : memref<2x128xi32, #tpu.memory_space<vmem>>)
      %add3A_155 = arith.constant 4 : i32
      %add3A_156 = arith.addi %add3A_126, %add3A_155 : i32
      %sub3A_157 = arith.constant 1 : i32
      %sub3A_158 = arith.subi %add3A_156, %sub3A_157 : i32
      %dma_start3A_159 = arith.constant 0 : i32
      %dma_start3A_160 = arith.constant 0 : i32
      %dma_start3A_161 = tpu.memref_slice %arg11[%dma_start3A_159, %dma_start3A_160] : memref<2x128xi32, #tpu.memory_space<vmem>> -> memref<1x128xi32, #tpu.memory_space<vmem>>
      %dma_start3A_162 = tpu.memref_squeeze %dma_start3A_161 : memref<1x128xi32, #tpu.memory_space<vmem>> -> memref<128xi32, #tpu.memory_space<vmem>>
      %dma_start3A_163 = arith.constant 0 : i32
      %dma_start3A_164 = arith.constant 0 : i32
      %dma_start3A_165 = tpu.memref_slice %arg6[%dma_start3A_163, %dma_start3A_164] : memref<10000x72xf32, #tpu.memory_space<vmem_shared>> -> memref<10000x72xf32, #tpu.memory_space<vmem_shared>>
      tpu.enqueue_indirect_dma source(%dma_start3A_165 : memref<10000x72xf32, #tpu.memory_space<vmem_shared>>) target(%arg15 : memref<128x72xf32, #tpu.memory_space<vmem>>) offsets(%dma_start3A_162 : memref<128xi32, #tpu.memory_space<vmem>>) semaphore(%arg23 : memref<!tpu.dma_semaphore, #tpu.memory_space<semaphore_mem>>)
      %mul3A_166 = arith.constant 4 : i32
      %mul3A_167 = arith.muli %scan3A_123, %mul3A_166 : i32
      %add3A_168 = arith.constant 1 : i32
      %add3A_169 = arith.addi %mul3A_167, %add3A_168 : i32
      %dma_wait3A_170 = arith.constant 0 : i32
      %dma_wait3A_171 = arith.constant 0 : i32
      %dma_wait3A_172 = tpu.memref_slice %arg9[%dma_wait3A_170, %dma_wait3A_171] : memref<2x128xi32, #tpu.memory_space<vmem>> -> memref<1x128xi32, #tpu.memory_space<vmem>>
      %dma_wait3A_173 = tpu.memref_squeeze %dma_wait3A_172 : memref<1x128xi32, #tpu.memory_space<vmem>> -> memref<128xi32, #tpu.memory_space<vmem>>
      %dma_wait3A_174 = arith.constant 0 : i32
      %dma_wait3A_175 = arith.constant 0 : i32
      %dma_wait3A_176 = tpu.memref_slice %arg6[%dma_wait3A_174, %dma_wait3A_175] : memref<10000x72xf32, #tpu.memory_space<vmem_shared>> -> memref<10000x72xf32, #tpu.memory_space<vmem_shared>>
      tpu.wait_indirect_dma semaphore(%arg21 : memref<!tpu.dma_semaphore, #tpu.memory_space<semaphore_mem>>) src(%dma_wait3A_176 : memref<10000x72xf32, #tpu.memory_space<vmem_shared>>) dst(%arg13 : memref<128x72xf32, #tpu.memory_space<vmem>>)
      %run_scoped3A_177 = arith.constant 1 : i32
      "tpu.region"() ({
        %run_scoped3A_301 = tpu.sem_alloc : memref<!tpu.dma_semaphore, #tpu.memory_space<semaphore_mem>>
        %dma_start3A_302 = arith.constant 0 : i32
        %dma_start3A_303 = tpu.memref_slice %arg9[%run_scoped3A_177, %dma_start3A_302] : memref<2x128xi32, #tpu.memory_space<vmem>> -> memref<1x128xi32, #tpu.memory_space<vmem>>
        %dma_start3A_304 = tpu.memref_squeeze %dma_start3A_303 : memref<1x128xi32, #tpu.memory_space<vmem>> -> memref<128xi32, #tpu.memory_space<vmem>>
        %dma_start3A_305 = arith.constant 0 : i32
        %dma_start3A_306 = arith.constant 0 : i32
        %dma_start3A_307 = tpu.memref_slice %arg7[%dma_start3A_305, %dma_start3A_306] : memref<10112x72xf32, #tpu.memory_space<vmem_shared>> -> memref<10112x72xf32, #tpu.memory_space<vmem_shared>>
        tpu.enqueue_indirect_dma source(%arg13 : memref<128x72xf32, #tpu.memory_space<vmem>>) target(%dma_start3A_307 : memref<10112x72xf32, #tpu.memory_space<vmem_shared>>) offsets(%dma_start3A_304 : memref<128xi32, #tpu.memory_space<vmem>>) semaphore(%run_scoped3A_301 : memref<!tpu.dma_semaphore, #tpu.memory_space<semaphore_mem>>) {add = true}
        %dma_wait3A_308 = arith.constant 0 : i32
        %dma_wait3A_309 = tpu.memref_slice %arg9[%run_scoped3A_177, %dma_wait3A_308] : memref<2x128xi32, #tpu.memory_space<vmem>> -> memref<1x128xi32, #tpu.memory_space<vmem>>
        %dma_wait3A_310 = tpu.memref_squeeze %dma_wait3A_309 : memref<1x128xi32, #tpu.memory_space<vmem>> -> memref<128xi32, #tpu.memory_space<vmem>>
        %dma_wait3A_311 = arith.constant 0 : i32
        %dma_wait3A_312 = arith.constant 0 : i32
        %dma_wait3A_313 = tpu.memref_slice %arg7[%dma_wait3A_311, %dma_wait3A_312] : memref<10112x72xf32, #tpu.memory_space<vmem_shared>> -> memref<10112x72xf32, #tpu.memory_space<vmem_shared>>
        tpu.wait_indirect_dma semaphore(%run_scoped3A_301 : memref<!tpu.dma_semaphore, #tpu.memory_space<semaphore_mem>>) src(%arg13 : memref<128x72xf32, #tpu.memory_space<vmem>>) dst(%dma_wait3A_313 : memref<10112x72xf32, #tpu.memory_space<vmem_shared>>)
        tpu.yield
      }) : () -> ()
      %add3A_178 = arith.constant 4 : i32
      %add3A_179 = arith.addi %add3A_169, %add3A_178 : i32
      %dma_start3A_180 = arith.constant 0 : i32
      %dma_start3A_181 = arith.constant 0 : i32
      %dma_start3A_182 = tpu.memref_slice %arg3[%arg1, %add3A_179, %dma_start3A_180, %dma_start3A_181] : memref<16x164x2x128xi32, #tpu.memory_space<hbm>> -> memref<1x1x2x128xi32, #tpu.memory_space<hbm>>
      %dma_start3A_183 = tpu.memref_squeeze %dma_start3A_182 : memref<1x1x2x128xi32, #tpu.memory_space<hbm>> -> memref<2x128xi32, #tpu.memory_space<hbm>>
      %dma_start3A_184 = arith.constant 0 : i32
      %dma_start3A_185 = arith.constant 0 : i32
      %dma_start3A_186 = tpu.memref_slice %arg3[%arg1, %add3A_179, %dma_start3A_184, %dma_start3A_185] : memref<16x164x2x128xi32, #tpu.memory_space<hbm>> -> memref<1x1x2x128xi32, #tpu.memory_space<hbm>>
      %dma_start3A_187 = tpu.memref_squeeze %dma_start3A_186 : memref<1x1x2x128xi32, #tpu.memory_space<hbm>> -> memref<2x128xi32, #tpu.memory_space<hbm>>
      tpu.enqueue_dma source(%dma_start3A_187 : memref<2x128xi32, #tpu.memory_space<hbm>>) target(%arg9 : memref<2x128xi32, #tpu.memory_space<vmem>>) target_semaphore(%arg17 : memref<!tpu.dma_semaphore, #tpu.memory_space<semaphore_mem>>)
      %add3A_188 = arith.constant 4 : i32
      %add3A_189 = arith.addi %add3A_169, %add3A_188 : i32
      %sub3A_190 = arith.constant 1 : i32
      %sub3A_191 = arith.subi %add3A_189, %sub3A_190 : i32
      %dma_wait3A_192 = arith.constant 0 : i32
      %dma_wait3A_193 = arith.constant 0 : i32
      %dma_wait3A_194 = tpu.memref_slice %arg3[%arg1, %sub3A_191, %dma_wait3A_192, %dma_wait3A_193] : memref<16x164x2x128xi32, #tpu.memory_space<hbm>> -> memref<1x1x2x128xi32, #tpu.memory_space<hbm>>
      %dma_wait3A_195 = tpu.memref_squeeze %dma_wait3A_194 : memref<1x1x2x128xi32, #tpu.memory_space<hbm>> -> memref<2x128xi32, #tpu.memory_space<hbm>>
      %dma_wait3A_196 = arith.constant 0 : i32
      %dma_wait3A_197 = arith.constant 0 : i32
      %dma_wait3A_198 = tpu.memref_slice %arg3[%arg1, %sub3A_191, %dma_wait3A_196, %dma_wait3A_197] : memref<16x164x2x128xi32, #tpu.memory_space<hbm>> -> memref<1x1x2x128xi32, #tpu.memory_space<hbm>>
      %dma_wait3A_199 = tpu.memref_squeeze %dma_wait3A_198 : memref<1x1x2x128xi32, #tpu.memory_space<hbm>> -> memref<2x128xi32, #tpu.memory_space<hbm>>
      tpu.wait_dma2 semaphore(%arg16 : memref<!tpu.dma_semaphore, #tpu.memory_space<semaphore_mem>>) src(%dma_wait3A_199 : memref<2x128xi32, #tpu.memory_space<hbm>>) dst(%arg8 : memref<2x128xi32, #tpu.memory_space<vmem>>)
      %add3A_200 = arith.constant 4 : i32
      %add3A_201 = arith.addi %add3A_169, %add3A_200 : i32
      %sub3A_202 = arith.constant 1 : i32
      %sub3A_203 = arith.subi %add3A_201, %sub3A_202 : i32
      %dma_start3A_204 = arith.constant 0 : i32
      %dma_start3A_205 = arith.constant 0 : i32
      %dma_start3A_206 = tpu.memref_slice %arg8[%dma_start3A_204, %dma_start3A_205] : memref<2x128xi32, #tpu.memory_space<vmem>> -> memref<1x128xi32, #tpu.memory_space<vmem>>
      %dma_start3A_207 = tpu.memref_squeeze %dma_start3A_206 : memref<1x128xi32, #tpu.memory_space<vmem>> -> memref<128xi32, #tpu.memory_space<vmem>>
      %dma_start3A_208 = arith.constant 0 : i32
      %dma_start3A_209 = arith.constant 0 : i32
      %dma_start3A_210 = tpu.memref_slice %arg6[%dma_start3A_208, %dma_start3A_209] : memref<10000x72xf32, #tpu.memory_space<vmem_shared>> -> memref<10000x72xf32, #tpu.memory_space<vmem_shared>>
      tpu.enqueue_indirect_dma source(%dma_start3A_210 : memref<10000x72xf32, #tpu.memory_space<vmem_shared>>) target(%arg12 : memref<128x72xf32, #tpu.memory_space<vmem>>) offsets(%dma_start3A_207 : memref<128xi32, #tpu.memory_space<vmem>>) semaphore(%arg20 : memref<!tpu.dma_semaphore, #tpu.memory_space<semaphore_mem>>)
      %mul3A_211 = arith.constant 4 : i32
      %mul3A_212 = arith.muli %scan3A_123, %mul3A_211 : i32
      %add3A_213 = arith.constant 2 : i32
      %add3A_214 = arith.addi %mul3A_212, %add3A_213 : i32
      %dma_wait3A_215 = arith.constant 0 : i32
      %dma_wait3A_216 = arith.constant 0 : i32
      %dma_wait3A_217 = tpu.memref_slice %arg10[%dma_wait3A_215, %dma_wait3A_216] : memref<2x128xi32, #tpu.memory_space<vmem>> -> memref<1x128xi32, #tpu.memory_space<vmem>>
      %dma_wait3A_218 = tpu.memref_squeeze %dma_wait3A_217 : memref<1x128xi32, #tpu.memory_space<vmem>> -> memref<128xi32, #tpu.memory_space<vmem>>
      %dma_wait3A_219 = arith.constant 0 : i32
      %dma_wait3A_220 = arith.constant 0 : i32
      %dma_wait3A_221 = tpu.memref_slice %arg6[%dma_wait3A_219, %dma_wait3A_220] : memref<10000x72xf32, #tpu.memory_space<vmem_shared>> -> memref<10000x72xf32, #tpu.memory_space<vmem_shared>>
      tpu.wait_indirect_dma semaphore(%arg22 : memref<!tpu.dma_semaphore, #tpu.memory_space<semaphore_mem>>) src(%dma_wait3A_221 : memref<10000x72xf32, #tpu.memory_space<vmem_shared>>) dst(%arg14 : memref<128x72xf32, #tpu.memory_space<vmem>>)
      %run_scoped3A_222 = arith.constant 1 : i32
      "tpu.region"() ({
        %run_scoped3A_301 = tpu.sem_alloc : memref<!tpu.dma_semaphore, #tpu.memory_space<semaphore_mem>>
        %dma_start3A_302 = arith.constant 0 : i32
        %dma_start3A_303 = tpu.memref_slice %arg10[%run_scoped3A_222, %dma_start3A_302] : memref<2x128xi32, #tpu.memory_space<vmem>> -> memref<1x128xi32, #tpu.memory_space<vmem>>
        %dma_start3A_304 = tpu.memref_squeeze %dma_start3A_303 : memref<1x128xi32, #tpu.memory_space<vmem>> -> memref<128xi32, #tpu.memory_space<vmem>>
        %dma_start3A_305 = arith.constant 0 : i32
        %dma_start3A_306 = arith.constant 0 : i32
        %dma_start3A_307 = tpu.memref_slice %arg7[%dma_start3A_305, %dma_start3A_306] : memref<10112x72xf32, #tpu.memory_space<vmem_shared>> -> memref<10112x72xf32, #tpu.memory_space<vmem_shared>>
        tpu.enqueue_indirect_dma source(%arg14 : memref<128x72xf32, #tpu.memory_space<vmem>>) target(%dma_start3A_307 : memref<10112x72xf32, #tpu.memory_space<vmem_shared>>) offsets(%dma_start3A_304 : memref<128xi32, #tpu.memory_space<vmem>>) semaphore(%run_scoped3A_301 : memref<!tpu.dma_semaphore, #tpu.memory_space<semaphore_mem>>) {add = true}
        %dma_wait3A_308 = arith.constant 0 : i32
        %dma_wait3A_309 = tpu.memref_slice %arg10[%run_scoped3A_222, %dma_wait3A_308] : memref<2x128xi32, #tpu.memory_space<vmem>> -> memref<1x128xi32, #tpu.memory_space<vmem>>
        %dma_wait3A_310 = tpu.memref_squeeze %dma_wait3A_309 : memref<1x128xi32, #tpu.memory_space<vmem>> -> memref<128xi32, #tpu.memory_space<vmem>>
        %dma_wait3A_311 = arith.constant 0 : i32
        %dma_wait3A_312 = arith.constant 0 : i32
        %dma_wait3A_313 = tpu.memref_slice %arg7[%dma_wait3A_311, %dma_wait3A_312] : memref<10112x72xf32, #tpu.memory_space<vmem_shared>> -> memref<10112x72xf32, #tpu.memory_space<vmem_shared>>
        tpu.wait_indirect_dma semaphore(%run_scoped3A_301 : memref<!tpu.dma_semaphore, #tpu.memory_space<semaphore_mem>>) src(%arg14 : memref<128x72xf32, #tpu.memory_space<vmem>>) dst(%dma_wait3A_313 : memref<10112x72xf32, #tpu.memory_space<vmem_shared>>)
        tpu.yield
      }) : () -> ()
      %add3A_223 = arith.constant 4 : i32
      %add3A_224 = arith.addi %add3A_214, %add3A_223 : i32
      %dma_start3A_225 = arith.constant 0 : i32
      %dma_start3A_226 = arith.constant 0 : i32
      %dma_start3A_227 = tpu.memref_slice %arg3[%arg1, %add3A_224, %dma_start3A_225, %dma_start3A_226] : memref<16x164x2x128xi32, #tpu.memory_space<hbm>> -> memref<1x1x2x128xi32, #tpu.memory_space<hbm>>
      %dma_start3A_228 = tpu.memref_squeeze %dma_start3A_227 : memref<1x1x2x128xi32, #tpu.memory_space<hbm>> -> memref<2x128xi32, #tpu.memory_space<hbm>>
      %dma_start3A_229 = arith.constant 0 : i32
      %dma_start3A_230 = arith.constant 0 : i32
      %dma_start3A_231 = tpu.memref_slice %arg3[%arg1, %add3A_224, %dma_start3A_229, %dma_start3A_230] : memref<16x164x2x128xi32, #tpu.memory_space<hbm>> -> memref<1x1x2x128xi32, #tpu.memory_space<hbm>>
      %dma_start3A_232 = tpu.memref_squeeze %dma_start3A_231 : memref<1x1x2x128xi32, #tpu.memory_space<hbm>> -> memref<2x128xi32, #tpu.memory_space<hbm>>
      tpu.enqueue_dma source(%dma_start3A_232 : memref<2x128xi32, #tpu.memory_space<hbm>>) target(%arg10 : memref<2x128xi32, #tpu.memory_space<vmem>>) target_semaphore(%arg18 : memref<!tpu.dma_semaphore, #tpu.memory_space<semaphore_mem>>)
      %add3A_233 = arith.constant 4 : i32
      %add3A_234 = arith.addi %add3A_214, %add3A_233 : i32
      %sub3A_235 = arith.constant 1 : i32
      %sub3A_236 = arith.subi %add3A_234, %sub3A_235 : i32
      %dma_wait3A_237 = arith.constant 0 : i32
      %dma_wait3A_238 = arith.constant 0 : i32
      %dma_wait3A_239 = tpu.memref_slice %arg3[%arg1, %sub3A_236, %dma_wait3A_237, %dma_wait3A_238] : memref<16x164x2x128xi32, #tpu.memory_space<hbm>> -> memref<1x1x2x128xi32, #tpu.memory_space<hbm>>
      %dma_wait3A_240 = tpu.memref_squeeze %dma_wait3A_239 : memref<1x1x2x128xi32, #tpu.memory_space<hbm>> -> memref<2x128xi32, #tpu.memory_space<hbm>>
      %dma_wait3A_241 = arith.constant 0 : i32
      %dma_wait3A_242 = arith.constant 0 : i32
      %dma_wait3A_243 = tpu.memref_slice %arg3[%arg1, %sub3A_236, %dma_wait3A_241, %dma_wait3A_242] : memref<16x164x2x128xi32, #tpu.memory_space<hbm>> -> memref<1x1x2x128xi32, #tpu.memory_space<hbm>>
      %dma_wait3A_244 = tpu.memref_squeeze %dma_wait3A_243 : memref<1x1x2x128xi32, #tpu.memory_space<hbm>> -> memref<2x128xi32, #tpu.memory_space<hbm>>
      tpu.wait_dma2 semaphore(%arg17 : memref<!tpu.dma_semaphore, #tpu.memory_space<semaphore_mem>>) src(%dma_wait3A_244 : memref<2x128xi32, #tpu.memory_space<hbm>>) dst(%arg9 : memref<2x128xi32, #tpu.memory_space<vmem>>)
      %add3A_245 = arith.constant 4 : i32
      %add3A_246 = arith.addi %add3A_214, %add3A_245 : i32
      %sub3A_247 = arith.constant 1 : i32
      %sub3A_248 = arith.subi %add3A_246, %sub3A_247 : i32
      %dma_start3A_249 = arith.constant 0 : i32
      %dma_start3A_250 = arith.constant 0 : i32
      %dma_start3A_251 = tpu.memref_slice %arg9[%dma_start3A_249, %dma_start3A_250] : memref<2x128xi32, #tpu.memory_space<vmem>> -> memref<1x128xi32, #tpu.memory_space<vmem>>
      %dma_start3A_252 = tpu.memref_squeeze %dma_start3A_251 : memref<1x128xi32, #tpu.memory_space<vmem>> -> memref<128xi32, #tpu.memory_space<vmem>>
      %dma_start3A_253 = arith.constant 0 : i32
      %dma_start3A_254 = arith.constant 0 : i32
      %dma_start3A_255 = tpu.memref_slice %arg6[%dma_start3A_253, %dma_start3A_254] : memref<10000x72xf32, #tpu.memory_space<vmem_shared>> -> memref<10000x72xf32, #tpu.memory_space<vmem_shared>>
      tpu.enqueue_indirect_dma source(%dma_start3A_255 : memref<10000x72xf32, #tpu.memory_space<vmem_shared>>) target(%arg13 : memref<128x72xf32, #tpu.memory_space<vmem>>) offsets(%dma_start3A_252 : memref<128xi32, #tpu.memory_space<vmem>>) semaphore(%arg21 : memref<!tpu.dma_semaphore, #tpu.memory_space<semaphore_mem>>)
      %mul3A_256 = arith.constant 4 : i32
      %mul3A_257 = arith.muli %scan3A_123, %mul3A_256 : i32
      %add3A_258 = arith.constant 3 : i32
      %add3A_259 = arith.addi %mul3A_257, %add3A_258 : i32
      %dma_wait3A_260 = arith.constant 0 : i32
      %dma_wait3A_261 = arith.constant 0 : i32
      %dma_wait3A_262 = tpu.memref_slice %arg11[%dma_wait3A_260, %dma_wait3A_261] : memref<2x128xi32, #tpu.memory_space<vmem>> -> memref<1x128xi32, #tpu.memory_space<vmem>>
      %dma_wait3A_263 = tpu.memref_squeeze %dma_wait3A_262 : memref<1x128xi32, #tpu.memory_space<vmem>> -> memref<128xi32, #tpu.memory_space<vmem>>
      %dma_wait3A_264 = arith.constant 0 : i32
      %dma_wait3A_265 = arith.constant 0 : i32
      %dma_wait3A_266 = tpu.memref_slice %arg6[%dma_wait3A_264, %dma_wait3A_265] : memref<10000x72xf32, #tpu.memory_space<vmem_shared>> -> memref<10000x72xf32, #tpu.memory_space<vmem_shared>>
      tpu.wait_indirect_dma semaphore(%arg23 : memref<!tpu.dma_semaphore, #tpu.memory_space<semaphore_mem>>) src(%dma_wait3A_266 : memref<10000x72xf32, #tpu.memory_space<vmem_shared>>) dst(%arg15 : memref<128x72xf32, #tpu.memory_space<vmem>>)
      %run_scoped3A_267 = arith.constant 1 : i32
      "tpu.region"() ({
        %run_scoped3A_301 = tpu.sem_alloc : memref<!tpu.dma_semaphore, #tpu.memory_space<semaphore_mem>>
        %dma_start3A_302 = arith.constant 0 : i32
        %dma_start3A_303 = tpu.memref_slice %arg11[%run_scoped3A_267, %dma_start3A_302] : memref<2x128xi32, #tpu.memory_space<vmem>> -> memref<1x128xi32, #tpu.memory_space<vmem>>
        %dma_start3A_304 = tpu.memref_squeeze %dma_start3A_303 : memref<1x128xi32, #tpu.memory_space<vmem>> -> memref<128xi32, #tpu.memory_space<vmem>>
        %dma_start3A_305 = arith.constant 0 : i32
        %dma_start3A_306 = arith.constant 0 : i32
        %dma_start3A_307 = tpu.memref_slice %arg7[%dma_start3A_305, %dma_start3A_306] : memref<10112x72xf32, #tpu.memory_space<vmem_shared>> -> memref<10112x72xf32, #tpu.memory_space<vmem_shared>>
        tpu.enqueue_indirect_dma source(%arg15 : memref<128x72xf32, #tpu.memory_space<vmem>>) target(%dma_start3A_307 : memref<10112x72xf32, #tpu.memory_space<vmem_shared>>) offsets(%dma_start3A_304 : memref<128xi32, #tpu.memory_space<vmem>>) semaphore(%run_scoped3A_301 : memref<!tpu.dma_semaphore, #tpu.memory_space<semaphore_mem>>) {add = true}
        %dma_wait3A_308 = arith.constant 0 : i32
        %dma_wait3A_309 = tpu.memref_slice %arg11[%run_scoped3A_267, %dma_wait3A_308] : memref<2x128xi32, #tpu.memory_space<vmem>> -> memref<1x128xi32, #tpu.memory_space<vmem>>
        %dma_wait3A_310 = tpu.memref_squeeze %dma_wait3A_309 : memref<1x128xi32, #tpu.memory_space<vmem>> -> memref<128xi32, #tpu.memory_space<vmem>>
        %dma_wait3A_311 = arith.constant 0 : i32
        %dma_wait3A_312 = arith.constant 0 : i32
        %dma_wait3A_313 = tpu.memref_slice %arg7[%dma_wait3A_311, %dma_wait3A_312] : memref<10112x72xf32, #tpu.memory_space<vmem_shared>> -> memref<10112x72xf32, #tpu.memory_space<vmem_shared>>
        tpu.wait_indirect_dma semaphore(%run_scoped3A_301 : memref<!tpu.dma_semaphore, #tpu.memory_space<semaphore_mem>>) src(%arg15 : memref<128x72xf32, #tpu.memory_space<vmem>>) dst(%dma_wait3A_313 : memref<10112x72xf32, #tpu.memory_space<vmem_shared>>)
        tpu.yield
      }) : () -> ()
      %add3A_268 = arith.constant 4 : i32
      %add3A_269 = arith.addi %add3A_259, %add3A_268 : i32
      %dma_start3A_270 = arith.constant 0 : i32
      %dma_start3A_271 = arith.constant 0 : i32
      %dma_start3A_272 = tpu.memref_slice %arg3[%arg1, %add3A_269, %dma_start3A_270, %dma_start3A_271] : memref<16x164x2x128xi32, #tpu.memory_space<hbm>> -> memref<1x1x2x128xi32, #tpu.memory_space<hbm>>
      %dma_start3A_273 = tpu.memref_squeeze %dma_start3A_272 : memref<1x1x2x128xi32, #tpu.memory_space<hbm>> -> memref<2x128xi32, #tpu.memory_space<hbm>>
      %dma_start3A_274 = arith.constant 0 : i32
      %dma_start3A_275 = arith.constant 0 : i32
      %dma_start3A_276 = tpu.memref_slice %arg3[%arg1, %add3A_269, %dma_start3A_274, %dma_start3A_275] : memref<16x164x2x128xi32, #tpu.memory_space<hbm>> -> memref<1x1x2x128xi32, #tpu.memory_space<hbm>>
      %dma_start3A_277 = tpu.memref_squeeze %dma_start3A_276 : memref<1x1x2x128xi32, #tpu.memory_space<hbm>> -> memref<2x128xi32, #tpu.memory_space<hbm>>
      tpu.enqueue_dma source(%dma_start3A_277 : memref<2x128xi32, #tpu.memory_space<hbm>>) target(%arg11 : memref<2x128xi32, #tpu.memory_space<vmem>>) target_semaphore(%arg19 : memref<!tpu.dma_semaphore, #tpu.memory_space<semaphore_mem>>)
      %add3A_278 = arith.constant 4 : i32
      %add3A_279 = arith.addi %add3A_259, %add3A_278 : i32
      %sub3A_280 = arith.constant 1 : i32
      %sub3A_281 = arith.subi %add3A_279, %sub3A_280 : i32
      %dma_wait3A_282 = arith.constant 0 : i32
      %dma_wait3A_283 = arith.constant 0 : i32
      %dma_wait3A_284 = tpu.memref_slice %arg3[%arg1, %sub3A_281, %dma_wait3A_282, %dma_wait3A_283] : memref<16x164x2x128xi32, #tpu.memory_space<hbm>> -> memref<1x1x2x128xi32, #tpu.memory_space<hbm>>
      %dma_wait3A_285 = tpu.memref_squeeze %dma_wait3A_284 : memref<1x1x2x128xi32, #tpu.memory_space<hbm>> -> memref<2x128xi32, #tpu.memory_space<hbm>>
      %dma_wait3A_286 = arith.constant 0 : i32
      %dma_wait3A_287 = arith.constant 0 : i32
      %dma_wait3A_288 = tpu.memref_slice %arg3[%arg1, %sub3A_281, %dma_wait3A_286, %dma_wait3A_287] : memref<16x164x2x128xi32, #tpu.memory_space<hbm>> -> memref<1x1x2x128xi32, #tpu.memory_space<hbm>>
      %dma_wait3A_289 = tpu.memref_squeeze %dma_wait3A_288 : memref<1x1x2x128xi32, #tpu.memory_space<hbm>> -> memref<2x128xi32, #tpu.memory_space<hbm>>
      tpu.wait_dma2 semaphore(%arg18 : memref<!tpu.dma_semaphore, #tpu.memory_space<semaphore_mem>>) src(%dma_wait3A_289 : memref<2x128xi32, #tpu.memory_space<hbm>>) dst(%arg10 : memref<2x128xi32, #tpu.memory_space<vmem>>)
      %add3A_290 = arith.constant 4 : i32
      %add3A_291 = arith.addi %add3A_259, %add3A_290 : i32
      %sub3A_292 = arith.constant 1 : i32
      %sub3A_293 = arith.subi %add3A_291, %sub3A_292 : i32
      %dma_start3A_294 = arith.constant 0 : i32
      %dma_start3A_295 = arith.constant 0 : i32
      %dma_start3A_296 = tpu.memref_slice %arg10[%dma_start3A_294, %dma_start3A_295] : memref<2x128xi32, #tpu.memory_space<vmem>> -> memref<1x128xi32, #tpu.memory_space<vmem>>
      %dma_start3A_297 = tpu.memref_squeeze %dma_start3A_296 : memref<1x128xi32, #tpu.memory_space<vmem>> -> memref<128xi32, #tpu.memory_space<vmem>>
      %dma_start3A_298 = arith.constant 0 : i32
      %dma_start3A_299 = arith.constant 0 : i32
      %dma_start3A_300 = tpu.memref_slice %arg6[%dma_start3A_298, %dma_start3A_299] : memref<10000x72xf32, #tpu.memory_space<vmem_shared>> -> memref<10000x72xf32, #tpu.memory_space<vmem_shared>>
      tpu.enqueue_indirect_dma source(%dma_start3A_300 : memref<10000x72xf32, #tpu.memory_space<vmem_shared>>) target(%arg14 : memref<128x72xf32, #tpu.memory_space<vmem>>) offsets(%dma_start3A_297 : memref<128xi32, #tpu.memory_space<vmem>>) semaphore(%arg22 : memref<!tpu.dma_semaphore, #tpu.memory_space<semaphore_mem>>)
    }
    %scan3A_91 = arith.constant 40 : i32
    %dma_wait3A_92 = arith.constant 0 : i32
    %dma_wait3A_93 = arith.constant 0 : i32
    %dma_wait3A_94 = tpu.memref_slice %arg8[%dma_wait3A_92, %dma_wait3A_93] : memref<2x128xi32, #tpu.memory_space<vmem>> -> memref<1x128xi32, #tpu.memory_space<vmem>>
    %dma_wait3A_95 = tpu.memref_squeeze %dma_wait3A_94 : memref<1x128xi32, #tpu.memory_space<vmem>> -> memref<128xi32, #tpu.memory_space<vmem>>
    %dma_wait3A_96 = arith.constant 0 : i32
    %dma_wait3A_97 = arith.constant 0 : i32
    %dma_wait3A_98 = tpu.memref_slice %arg6[%dma_wait3A_96, %dma_wait3A_97] : memref<10000x72xf32, #tpu.memory_space<vmem_shared>> -> memref<10000x72xf32, #tpu.memory_space<vmem_shared>>
    tpu.wait_indirect_dma semaphore(%arg20 : memref<!tpu.dma_semaphore, #tpu.memory_space<semaphore_mem>>) src(%dma_wait3A_98 : memref<10000x72xf32, #tpu.memory_space<vmem_shared>>) dst(%arg12 : memref<128x72xf32, #tpu.memory_space<vmem>>)
    %dma_wait3A_99 = arith.constant 0 : i32
    %dma_wait3A_100 = arith.constant 0 : i32
    %dma_wait3A_101 = tpu.memref_slice %arg9[%dma_wait3A_99, %dma_wait3A_100] : memref<2x128xi32, #tpu.memory_space<vmem>> -> memref<1x128xi32, #tpu.memory_space<vmem>>
    %dma_wait3A_102 = tpu.memref_squeeze %dma_wait3A_101 : memref<1x128xi32, #tpu.memory_space<vmem>> -> memref<128xi32, #tpu.memory_space<vmem>>
    %dma_wait3A_103 = arith.constant 0 : i32
    %dma_wait3A_104 = arith.constant 0 : i32
    %dma_wait3A_105 = tpu.memref_slice %arg6[%dma_wait3A_103, %dma_wait3A_104] : memref<10000x72xf32, #tpu.memory_space<vmem_shared>> -> memref<10000x72xf32, #tpu.memory_space<vmem_shared>>
    tpu.wait_indirect_dma semaphore(%arg21 : memref<!tpu.dma_semaphore, #tpu.memory_space<semaphore_mem>>) src(%dma_wait3A_105 : memref<10000x72xf32, #tpu.memory_space<vmem_shared>>) dst(%arg13 : memref<128x72xf32, #tpu.memory_space<vmem>>)
    %dma_wait3A_106 = arith.constant 0 : i32
    %dma_wait3A_107 = arith.constant 0 : i32
    %dma_wait3A_108 = tpu.memref_slice %arg10[%dma_wait3A_106, %dma_wait3A_107] : memref<2x128xi32, #tpu.memory_space<vmem>> -> memref<1x128xi32, #tpu.memory_space<vmem>>
    %dma_wait3A_109 = tpu.memref_squeeze %dma_wait3A_108 : memref<1x128xi32, #tpu.memory_space<vmem>> -> memref<128xi32, #tpu.memory_space<vmem>>
    %dma_wait3A_110 = arith.constant 0 : i32
    %dma_wait3A_111 = arith.constant 0 : i32
    %dma_wait3A_112 = tpu.memref_slice %arg6[%dma_wait3A_110, %dma_wait3A_111] : memref<10000x72xf32, #tpu.memory_space<vmem_shared>> -> memref<10000x72xf32, #tpu.memory_space<vmem_shared>>
    tpu.wait_indirect_dma semaphore(%arg22 : memref<!tpu.dma_semaphore, #tpu.memory_space<semaphore_mem>>) src(%dma_wait3A_112 : memref<10000x72xf32, #tpu.memory_space<vmem_shared>>) dst(%arg14 : memref<128x72xf32, #tpu.memory_space<vmem>>)
    %dma_wait3A_113 = arith.constant 163 : i32
    %dma_wait3A_114 = arith.constant 0 : i32
    %dma_wait3A_115 = arith.constant 0 : i32
    %dma_wait3A_116 = tpu.memref_slice %arg3[%arg1, %dma_wait3A_113, %dma_wait3A_114, %dma_wait3A_115] : memref<16x164x2x128xi32, #tpu.memory_space<hbm>> -> memref<1x1x2x128xi32, #tpu.memory_space<hbm>>
    %dma_wait3A_117 = tpu.memref_squeeze %dma_wait3A_116 : memref<1x1x2x128xi32, #tpu.memory_space<hbm>> -> memref<2x128xi32, #tpu.memory_space<hbm>>
    %dma_wait3A_118 = arith.constant 0 : i32
    %dma_wait3A_119 = arith.constant 0 : i32
    %dma_wait3A_120 = tpu.memref_slice %arg3[%arg1, %dma_wait3A_113, %dma_wait3A_118, %dma_wait3A_119] : memref<16x164x2x128xi32, #tpu.memory_space<hbm>> -> memref<1x1x2x128xi32, #tpu.memory_space<hbm>>
    %dma_wait3A_121 = tpu.memref_squeeze %dma_wait3A_120 : memref<1x1x2x128xi32, #tpu.memory_space<hbm>> -> memref<2x128xi32, #tpu.memory_space<hbm>>
    tpu.wait_dma2 semaphore(%arg19 : memref<!tpu.dma_semaphore, #tpu.memory_space<semaphore_mem>>) src(%dma_wait3A_121 : memref<2x128xi32, #tpu.memory_space<hbm>>) dst(%arg11 : memref<2x128xi32, #tpu.memory_space<vmem>>)
    %barrier3A_122 = arith.constant 0 : index
    tpu.barrier barrier_id(%barrier3A_122)
    "tpu.region"() ({
      %run_scoped3A = tpu.sem_alloc : memref<!tpu.dma_semaphore, #tpu.memory_space<semaphore_mem>>
      %dma_start3A_123 = arith.constant 0 : i32
      %dma_start3A_124 = tpu.memref_slice %arg5[%arg0, %mul3A_0, %dma_start3A_123] : memref<2x10112x72xf32, #tpu.memory_space<hbm>> -> memref<1x632x72xf32, #tpu.memory_space<hbm>>
      %dma_start3A_125 = tpu.memref_squeeze %dma_start3A_124 : memref<1x632x72xf32, #tpu.memory_space<hbm>> -> memref<632x72xf32, #tpu.memory_space<hbm>>
      %dma_start3A_126 = arith.constant 0 : i32
      %dma_start3A_127 = tpu.memref_slice %arg7[%mul3A_0, %dma_start3A_126] : memref<10112x72xf32, #tpu.memory_space<vmem_shared>> -> memref<632x72xf32, #tpu.memory_space<vmem_shared>>
      tpu.enqueue_dma source(%dma_start3A_127 : memref<632x72xf32, #tpu.memory_space<vmem_shared>>) target(%dma_start3A_125 : memref<632x72xf32, #tpu.memory_space<hbm>>) target_semaphore(%run_scoped3A : memref<!tpu.dma_semaphore, #tpu.memory_space<semaphore_mem>>)
      %dma_wait3A_128 = arith.constant 0 : i32
      %dma_wait3A_129 = tpu.memref_slice %arg5[%arg0, %mul3A_0, %dma_wait3A_128] : memref<2x10112x72xf32, #tpu.memory_space<hbm>> -> memref<1x632x72xf32, #tpu.memory_space<hbm>>
      %dma_wait3A_130 = tpu.memref_squeeze %dma_wait3A_129 : memref<1x632x72xf32, #tpu.memory_space<hbm>> -> memref<632x72xf32, #tpu.memory_space<hbm>>
      %dma_wait3A_131 = arith.constant 0 : i32
      %dma_wait3A_132 = tpu.memref_slice %arg7[%mul3A_0, %dma_wait3A_131] : memref<10112x72xf32, #tpu.memory_space<vmem_shared>> -> memref<632x72xf32, #tpu.memory_space<vmem_shared>>
      tpu.wait_dma2 semaphore(%run_scoped3A : memref<!tpu.dma_semaphore, #tpu.memory_space<semaphore_mem>>) src(%dma_wait3A_132 : memref<632x72xf32, #tpu.memory_space<vmem_shared>>) dst(%dma_wait3A_130 : memref<632x72xf32, #tpu.memory_space<hbm>>)
      tpu.yield
    }) : () -> ()
    return
  }
}

module attributes {stable_mosaic.version = 14 : i64} {
  func.func @_haug_body(%arg0: i32, %arg1: i32, %arg2: memref<1000x128xf32, #tpu.memory_space<vmem>>, %arg3: memref<1x128x72xf32, #tpu.memory_space<vmem>>, %arg4: memref<1x1x72xf32, #tpu.memory_space<vmem>>, %arg5: memref<1x1000x72xf32, #tpu.memory_space<vmem>>) attributes {dimension_semantics = [#tpu.dimension_semantics<arbitrary>, #tpu.dimension_semantics<arbitrary>], iteration_bounds = array<i64: 10, 2>, scalar_prefetch = 0 : i64, scratch_operands = 0 : i64, tpu.core_type = #tpu.core_type<tc>, window_params = [{transform_indices = @transform_0, window_bounds = array<i64: 1000, 128>}, {transform_indices = @transform_1, window_bounds = array<i64: 1, 128, 72>}, {transform_indices = @transform_2, window_bounds = array<i64: 1, 1, 72>}, {transform_indices = @transform_3, window_bounds = array<i64: 1, 1000, 72>}]} {
    %get3A = arith.constant 0 : index
    %get3A_0 = arith.constant 0 : index
    %get3A_1 = vector.load %arg2[%get3A, %get3A_0] : memref<1000x128xf32, #tpu.memory_space<vmem>>, vector<1000x128xf32>
    %get3A_2 = arith.constant 0 : index
    %get3A_3 = arith.constant 0 : index
    %get3A_4 = arith.constant 0 : index
    %get3A_5 = vector.load %arg3[%get3A_2, %get3A_3, %get3A_4] : memref<1x128x72xf32, #tpu.memory_space<vmem>>, vector<1x128x72xf32>
    %get3A_6 = vector.shape_cast %get3A_5 : vector<1x128x72xf32> to vector<128x72xf32>
    %dot_general3A = arith.constant dense<0.000000e+00> : vector<1000x72xf32>
    %dot_general3A_7 = tpu.matmul %get3A_1, %get3A_6, %dot_general3A {dimension_numbers = #tpu.dot_dimension_numbers<[1], [0], [0], [1], [0, 0, 1, 1], [], []>, transpose_lhs_hint = false} : vector<1000x128xf32>, vector<128x72xf32>, vector<1000x72xf32> -> vector<1000x72xf32>
    %get3A_8 = arith.constant 0 : index
    %get3A_9 = arith.constant 0 : index
    %get3A_10 = arith.constant 0 : index
    %get3A_11 = vector.load %arg4[%get3A_8, %get3A_9, %get3A_10] : memref<1x1x72xf32, #tpu.memory_space<vmem>>, vector<1x1x72xf32>
    %get3A_12 = vector.shape_cast %get3A_11 : vector<1x1x72xf32> to vector<1x72xf32>
    %add3A = vector.broadcast %get3A_12 : vector<1x72xf32> to vector<1000x72xf32>
    %add3A_13 = arith.addf %dot_general3A_7, %add3A : vector<1000x72xf32>
    %max3A = arith.constant 0.000000e+00 : f32
    %max3A_14 = vector.broadcast %max3A : f32 to vector<1000x72xf32>
    %max3A_15 = arith.maximumf %add3A_13, %max3A_14 : vector<1000x72xf32>
    %iota3A = tpu.iota {dimensions = array<i32: 1>} : vector<1000x72xi32>
    %eq3A = arith.constant 1 : i32
    %eq3A_16 = arith.cmpi eq, %arg1, %eq3A : i32
    %ge3A = arith.constant 56 : i32
    %ge3A_17 = vector.broadcast %ge3A : i32 to vector<1000x72xi32>
    %ge3A_18 = arith.cmpi sge, %iota3A, %ge3A_17 : vector<1000x72xi32>
    %and3A = vector.broadcast %eq3A_16 : i1 to vector<1000x72xi1>
    %and3A_19 = arith.andi %and3A, %ge3A_18 : vector<1000x72xi1>
    %jit3A = arith.constant 1.000000e+00 : f32
    %broadcast_in_dim3A = vector.broadcast %jit3A : f32 to vector<1000x72xf32>
    %select_n3A = arith.select %and3A_19, %broadcast_in_dim3A, %max3A_15 : vector<1000x72xi1>, vector<1000x72xf32>
    %swap3A = arith.constant 0 : index
    %swap3A_20 = arith.constant 0 : index
    %swap3A_21 = arith.constant 0 : index
    %swap3A_22 = vector.load %arg5[%swap3A, %swap3A_20, %swap3A_21] : memref<1x1000x72xf32, #tpu.memory_space<vmem>>, vector<1x1000x72xf32>
    %swap3A_23 = vector.shape_cast %swap3A_22 : vector<1x1000x72xf32> to vector<1000x72xf32>
    %swap3A_24 = vector.shape_cast %select_n3A : vector<1000x72xf32> to vector<1x1000x72xf32>
    tpu.vector_store %arg5[%swap3A, %swap3A_20, %swap3A_21], %swap3A_24 {strides = array<i32>} : memref<1x1000x72xf32, #tpu.memory_space<vmem>>, vector<1x1000x72xf32>,
    return
  }
  func.func @transform_0(%arg0: i32, %arg1: i32) -> (i32, i32) {
    %c0_i32 = arith.constant 0 : i32
    %c0_i32_0 = arith.constant 0 : i32
    return %arg0, %c0_i32 : i32, i32
  }
  func.func @transform_1(%arg0: i32, %arg1: i32) -> (i32, i32, i32) {
    %c0_i32 = arith.constant 0 : i32
    %c0_i32_0 = arith.constant 0 : i32
    %c0_i32_1 = arith.constant 0 : i32
    return %arg1, %c0_i32, %c0_i32_0 : i32, i32, i32
  }
  func.func @transform_2(%arg0: i32, %arg1: i32) -> (i32, i32, i32) {
    %c0_i32 = arith.constant 0 : i32
    %c0_i32_0 = arith.constant 0 : i32
    %c0_i32_1 = arith.constant 0 : i32
    return %arg1, %c0_i32, %c0_i32_0 : i32, i32, i32
  }
  func.func @transform_3(%arg0: i32, %arg1: i32) -> (i32, i32, i32) {
    %c0_i32 = arith.constant 0 : i32
    %c0_i32_0 = arith.constant 0 : i32
    return %arg1, %arg0, %c0_i32 : i32, i32, i32
  }
}

module attributes {stable_mosaic.version = 14 : i64} {
  func.func @_combine_body(%arg0: i32, %arg1: memref<2x1000x72xf32, #tpu.memory_space<vmem>>, %arg2: memref<1000x128xf32, #tpu.memory_space<vmem>>, %arg3: memref<128x128xf32, #tpu.memory_space<vmem>>, %arg4: memref<128x128xf32, #tpu.memory_space<vmem>>, %arg5: memref<1x256xf32, #tpu.memory_space<vmem>>, %arg6: memref<1000x256xf32, #tpu.memory_space<vmem>>) attributes {dimension_semantics = [#tpu.dimension_semantics<arbitrary>], iteration_bounds = array<i64: 10>, scalar_prefetch = 0 : i64, scratch_operands = 0 : i64, tpu.core_type = #tpu.core_type<tc>, window_params = [{transform_indices = @transform_0, window_bounds = array<i64: 2, 1000, 72>}, {transform_indices = @transform_1, window_bounds = array<i64: 1000, 128>}, {pipeline_mode = #tpu.pipeline_mode<synchronous>, transform_indices = @transform_2, window_bounds = array<i64: 128, 128>}, {pipeline_mode = #tpu.pipeline_mode<synchronous>, transform_indices = @transform_3, window_bounds = array<i64: 128, 128>}, {pipeline_mode = #tpu.pipeline_mode<synchronous>, transform_indices = @transform_4, window_bounds = array<i64: 1, 256>}, {transform_indices = @transform_5, window_bounds = array<i64: 1000, 256>}]} {
    %get3A = arith.constant 0 : index
    %get3A_0 = arith.constant 0 : index
    %get3A_1 = arith.constant 0 : index
    %get3A_2 = vector.load %arg1[%get3A, %get3A_0, %get3A_1] : memref<2x1000x72xf32, #tpu.memory_space<vmem>>, vector<1x1000x72xf32>
    %get3A_3 = vector.shape_cast %get3A_2 : vector<1x1000x72xf32> to vector<1000x72xf32>
    %get3A_4 = arith.constant 1 : index
    %get3A_5 = arith.constant 0 : index
    %get3A_6 = arith.constant 0 : index
    %get3A_7 = vector.load %arg1[%get3A_4, %get3A_5, %get3A_6] : memref<2x1000x72xf32, #tpu.memory_space<vmem>>, vector<1x1000x72xf32>
    %get3A_8 = vector.shape_cast %get3A_7 : vector<1x1000x72xf32> to vector<1000x72xf32>
    %slice3A = vector.extract_strided_slice %get3A_8 {offsets = [0, 56], sizes = [1000, 16], strides = [1, 1]} : vector<1000x72xf32> to vector<1000x16xf32>
    %reduce_max3A = arith.constant dense<0xFF800000> : vector<1000xf32>
    %reduce_max3A_9 = vector.multi_reduction <maximumf>, %slice3A, %reduce_max3A [1] : vector<1000x16xf32> to vector<1000xf32>
    %broadcast_in_dim3A = vector.shape_cast %reduce_max3A_9 : vector<1000xf32> to vector<1000x1xf32>
    %gt3A = arith.constant 0.000000e+00 : f32
    %gt3A_10 = vector.broadcast %gt3A : f32 to vector<1000x1xf32>
    %gt3A_11 = arith.cmpf ogt, %broadcast_in_dim3A, %gt3A_10 : vector<1000x1xf32>
    %jit3A = arith.constant 1.000000e+00 : f32
    %broadcast_in_dim3A_12 = vector.broadcast %jit3A : f32 to vector<1000x1xf32>
    %select_n3A = arith.select %gt3A_11, %broadcast_in_dim3A, %broadcast_in_dim3A_12 : vector<1000x1xi1>, vector<1000x1xf32>
    %slice3A_13 = vector.extract_strided_slice %get3A_8 {offsets = [0, 0], sizes = [1000, 56], strides = [1, 1]} : vector<1000x72xf32> to vector<1000x56xf32>
    %concatenate3A = tpu.concatenate %get3A_3, %slice3A_13 in 1 : vector<1000x72xf32>, vector<1000x56xf32> -> vector<1000x128xf32>
    %div3A = vector.broadcast %select_n3A : vector<1000x1xf32> to vector<1000x128xf32>
    %div3A_14 = arith.divf %concatenate3A, %div3A : vector<1000x128xf32>
    %get3A_15 = arith.constant 0 : index
    %get3A_16 = arith.constant 0 : index
    %get3A_17 = vector.load %arg3[%get3A_15, %get3A_16] : memref<128x128xf32, #tpu.memory_space<vmem>>, vector<128x128xf32>
    %dot_general3A = arith.constant dense<0.000000e+00> : vector<1000x128xf32>
    %dot_general3A_18 = tpu.matmul %div3A_14, %get3A_17, %dot_general3A {dimension_numbers = #tpu.dot_dimension_numbers<[1], [0], [0], [1], [0, 0, 1, 1], [], []>, transpose_lhs_hint = false} : vector<1000x128xf32>, vector<128x128xf32>, vector<1000x128xf32> -> vector<1000x128xf32>
    %get3A_19 = arith.constant 0 : index
    %get3A_20 = arith.constant 0 : index
    %get3A_21 = vector.load %arg2[%get3A_19, %get3A_20] : memref<1000x128xf32, #tpu.memory_space<vmem>>, vector<1000x128xf32>
    %get3A_22 = arith.constant 0 : index
    %get3A_23 = arith.constant 0 : index
    %get3A_24 = vector.load %arg4[%get3A_22, %get3A_23] : memref<128x128xf32, #tpu.memory_space<vmem>>, vector<128x128xf32>
    %dot_general3A_25 = arith.constant dense<0.000000e+00> : vector<1000x128xf32>
    %dot_general3A_26 = tpu.matmul %get3A_21, %get3A_24, %dot_general3A_25 {dimension_numbers = #tpu.dot_dimension_numbers<[1], [0], [0], [1], [0, 0, 1, 1], [], []>, transpose_lhs_hint = false} : vector<1000x128xf32>, vector<128x128xf32>, vector<1000x128xf32> -> vector<1000x128xf32>
    %concatenate3A_27 = tpu.concatenate %dot_general3A_18, %dot_general3A_26 in 1 : vector<1000x128xf32>, vector<1000x128xf32> -> vector<1000x256xf32>
    %get3A_28 = arith.constant 0 : index
    %get3A_29 = arith.constant 0 : index
    %get3A_30 = vector.load %arg5[%get3A_28, %get3A_29] : memref<1x256xf32, #tpu.memory_space<vmem>>, vector<1x256xf32>
    %add3A = vector.broadcast %get3A_30 : vector<1x256xf32> to vector<1000x256xf32>
    %add3A_31 = arith.addf %concatenate3A_27, %add3A : vector<1000x256xf32>
    %max3A = arith.constant 0.000000e+00 : f32
    %max3A_32 = vector.broadcast %max3A : f32 to vector<1000x256xf32>
    %max3A_33 = arith.maximumf %add3A_31, %max3A_32 : vector<1000x256xf32>
    %swap3A = arith.constant 0 : index
    %swap3A_34 = arith.constant 0 : index
    %swap3A_35 = vector.load %arg6[%swap3A, %swap3A_34] : memref<1000x256xf32, #tpu.memory_space<vmem>>, vector<1000x256xf32>
    tpu.vector_store %arg6[%swap3A, %swap3A_34], %max3A_33 {strides = array<i32>} : memref<1000x256xf32, #tpu.memory_space<vmem>>, vector<1000x256xf32>,
    return
  }
  func.func @transform_0(%arg0: i32) -> (i32, i32, i32) {
    %c0_i32 = arith.constant 0 : i32
    %c0_i32_0 = arith.constant 0 : i32
    %c0_i32_1 = arith.constant 0 : i32
    return %c0_i32, %arg0, %c0_i32_0 : i32, i32, i32
  }
  func.func @transform_1(%arg0: i32) -> (i32, i32) {
    %c0_i32 = arith.constant 0 : i32
    %c0_i32_0 = arith.constant 0 : i32
    return %arg0, %c0_i32 : i32, i32
  }
  func.func @transform_2(%arg0: i32) -> (i32, i32) {
    %c0_i32 = arith.constant 0 : i32
    %c0_i32_0 = arith.constant 0 : i32
    %c0_i32_1 = arith.constant 0 : i32
    return %c0_i32, %c0_i32_0 : i32, i32
  }
  func.func @transform_3(%arg0: i32) -> (i32, i32) {
    %c0_i32 = arith.constant 0 : i32
    %c0_i32_0 = arith.constant 0 : i32
    %c0_i32_1 = arith.constant 0 : i32
    return %c0_i32, %c0_i32_0 : i32, i32
  }
  func.func @transform_4(%arg0: i32) -> (i32, i32) {
    %c0_i32 = arith.constant 0 : i32
    %c0_i32_0 = arith.constant 0 : i32
    %c0_i32_1 = arith.constant 0 : i32
    return %c0_i32, %c0_i32_0 : i32, i32
  }
  func.func @transform_5(%arg0: i32) -> (i32, i32) {
    %c0_i32 = arith.constant 0 : i32
    %c0_i32_0 = arith.constant 0 : i32
    return %arg0, %c0_i32 : i32, i32
  }
}

</mosaic_0001>

<sc_bundles>
// kernel: kernel.5.cloned.1.call-start
scs
__scs_entry_jumppad:
0x0: {  	(pc) =	sbr.rel $0x88, $3  }
0x1: {  	(tag) =	ssettag $0x0;
	lr =	simm.s32 $0x1  }
0x2: {  	[smem:$0x3F9A] =	sst lr;
	_ =	strace $0xD0000000  }
0x3: {  	_ = 	snop  }
0x4: {  	_ = 	snop  }
0x5: {  	_ = 	snop  }
0x6: {  	_ = 	snop  }
0x7: {  	_ = 	snop  }
__scs_overlays_trampoline_lowered:
0x8: {  	[smem:$0x3FA9] =	sst s0  }
0x9: {  	[smem:$0x3FAA] =	sst s1  }
0xa: {  	[smem:$0x3FAB] =	sst s2  }
0xb: {  	[smem:$0x3FAC] =	sst s3  }
0xc: {  	[smem:$0x3FAD] =	sst s4  }
0xd: {  	[smem:$0x3FAE] =	sst s5  }
0xe: {  	[smem:$0x3FAF] =	sst s6  }
0xf: {  	[smem:$0x3FB0] =	sst s7  }
0x10: {  	[smem:$0x3FB1] =	sst s8  }
0x11: {  	[smem:$0x3FB2] =	sst s9;
	s0 =	simm.s32 @!p0 $0x0  }
0x12: {  	s1 =	sld [smem:$0x3F98];
	s0 =	simm.s32 @p0 $0x1  }
0x13: {  	[smem:$0x3FB3] =	sst s0;
	s0 =	simm.s32 @!p1 $0x0  }
0x14: {  	s2 =	sld [smem:$0x3F97];
	s0 =	simm.s32 @p1 $0x1  }
0x15: {  	[smem:$0x3FB4] =	sst s0;
	s0 =	simm.s32 @!p2 $0x0  }
0x16: {  	s3 =	sld [smem:$0x3FDB];
	s0 =	simm.s32 @p2 $0x1  }
0x17: {  	s4 =	simm.s32 $0x1BF5;
	[smem:$0x3FB6] =	sst s0  }
0x18: {  	s0 =	sld [smem:$0x3F99];
	_ =	swait.ge [sflag:s4], $0x0  }
0x19: {  	s7 =	sld [smem:$0x3F9A]  }
0x1a: {  	s8 =	sadd.s32 $0xFFFFE003, lr  }
0x1b: {  	s9 =	sadd.s32 $0xFFFFFEF7, lr;
	s5 =	simm.s32 $0xFFFFFFFF;
	p2 =	slt.u32 s8, $0xFFFFF086  }
0x1c: {  	p1 =	slt.u32 s9, $0xF7A;
	s5 =	simm.s32 @!p2 $0x0  }
0x1d: {  	s5 =	simm.s32 @p1 $0x1;
	p0 =	seq.s32 s7, s2  }
0x1e: {  	s7 =	smul.u32 @!p0 $0xF7A, s2;
	p2 =	seq.s32 @!p0 s5, $0x0  }
0x1f: {  	s9 =	smul.u32 $0xF7A, s1;
	s8 =	simm.s32 @!p0 $0x1BF5;
	p2 =	por !p2, p0  }
0x20: {  	[sflag:s8] =	ssyncset.s32 @!p0 $0xFFFFF086;
	s6 =	sadd.s32 @!p0 s3, s7;
	s7 =	simm.s32 @!p0 $0x108  }
0x21: {  	s3 =	sadd.s32 s3, s9;
	s6 =	sadd.s32 @!p0 $0x88, s6;
	s7 =	simm.s32 @p2 $0x1082  }
0x22: {  	[simem:s7], [sflag:s8] =	dma.local @!p0 [hbm:s6], $0xF7A  }
0x23: {  	s9 =	sor.u32 $0xD0000000, s2;
	s6 =	simm.s32 $0x108;
	_ =	swait.ge @!p0 [sflag:s8], $0x0  }
0x24: {  	s3 =	sadd.s32 $0x88, s3;
	s6 =	simm.s32 @!p1 $0x1082;
	[sflag:s4] =	ssyncset.s32 $0xFFFFF086  }
0x25: {  	[simem:s6], [sflag:s4] =	dma.local [hbm:s3], $0xF7A  }
0x26: {  	[smem:$0x3F9A] =	sst s1;
	(tag) =	ssettag s2;
	_ =	strace s9  }
0x27: {  	s1 =	sld [smem:$0x3FAA]  }
0x28: {  	s2 =	sld [smem:$0x3FAB]  }
0x29: {  	s4 =	sld [smem:$0x3FAD]  }
0x2a: {  	p0 =	seq.s32 s5, $0x0;
	s5 =	sld [smem:$0x3FAE]  }
0x2b: {  	s6 =	sld [smem:$0x3FAF]  }
0x2c: {  	s7 =	sld [smem:$0x3FB0]  }
0x2d: {  	s3 =	simm.s32 $0x108;
	s8 =	sld [smem:$0x3FB1]  }
0x2e: {  	s3 =	simm.s32 @!p0 $0x1082;
	s9 =	sld [smem:$0x3FB2]  }
0x2f: {  	lr =	sadd.s32 s0, s3;
	s0 =	sld [smem:$0x3FA9]  }
0x30: {  	s3 =	sld [smem:$0x3FAC]  }
0x31: {  	[smem:$0x3FB5] =	sst s10  }
0x32: {  	s10 =	sld [smem:$0x3FB3];
	_ =	sdelay $0x3  }
0x33: {  	p0 =	seq.s32 s10, $0x1;
	s10 =	sld [smem:$0x3FB5];
	_ =	sdelay $0x3  }
0x34: {  	[smem:$0x3FB5] =	sst s10  }
0x35: {  	s10 =	sld [smem:$0x3FB4];
	_ =	sdelay $0x3  }
0x36: {  	p1 =	seq.s32 s10, $0x1;
	s10 =	sld [smem:$0x3FB5];
	_ =	sdelay $0x3  }
0x37: {  	[smem:$0x3FB5] =	sst s10  }
0x38: {  	s10 =	sld [smem:$0x3FB6]  }
0x39: {  	_ = 	snop;
	(pc) =	sbr.ind lr, $3  }
0x3a: {  	_ = 	snop  }
0x3b: {  	_ = 	snop  }
0x3c: {  	p2 =	seq.s32 s10, $0x1;
	s10 =	sld [smem:$0x3FB5]  }
0x3d: {  	_ =	shalt  }
0x3e: {  	_ =	shalt  }
0x3f: {  	_ =	shalt  }
0x40: {  	_ =	shalt  }
0x41: {  	_ =	shalt  }
0x42: {  	_ =	shalt  }
0x43: {  	_ =	shalt  }
0x44: {  	_ =	shalt  }
0x45: {  	_ =	shalt  }
0x46: {  	_ =	shalt  }
0x47: {  	_ =	shalt  }
0x48: {  	_ =	shalt  }
0x49: {  	_ =	shalt  }
0x4a: {  	_ =	shalt  }
0x4b: {  	_ =	shalt  }
0x4c: {  	_ =	shalt  }
0x4d: {  	_ =	shalt  }
0x4e: {  	_ =	shalt  }
0x4f: {  	_ =	shalt  }
0x50: {  	_ =	shalt  }
0x51: {  	_ =	shalt  }
0x52: {  	_ =	shalt  }
0x53: {  	_ =	shalt  }
0x54: {  	_ =	shalt  }
0x55: {  	_ =	shalt  }
0x56: {  	_ =	shalt  }
0x57: {  	_ =	shalt  }
0x58: {  	_ =	shalt  }
0x59: {  	_ =	shalt  }
0x5a: {  	_ =	shalt  }
0x5b: {  	_ =	shalt  }
0x5c: {  	_ =	shalt  }
0x5d: {  	_ =	shalt  }
0x5e: {  	_ =	shalt  }
0x5f: {  	_ =	shalt  }
0x60: {  	_ =	shalt  }
0x61: {  	_ =	shalt  }
0x62: {  	_ =	shalt  }
0x63: {  	_ =	shalt  }
0x64: {  	_ =	shalt  }
0x65: {  	_ =	shalt  }
0x66: {  	_ =	shalt  }
0x67: {  	_ =	shalt  }
0x68: {  	_ =	shalt  }
0x69: {  	_ =	shalt  }
0x6a: {  	_ =	shalt  }
0x6b: {  	_ =	shalt  }
0x6c: {  	_ =	shalt  }
0x6d: {  	_ =	shalt  }
0x6e: {  	_ =	shalt  }
0x6f: {  	_ =	shalt  }
0x70: {  	_ =	shalt  }
0x71: {  	_ =	shalt  }
0x72: {  	_ =	shalt  }
0x73: {  	_ =	shalt  }
0x74: {  	_ =	shalt  }
0x75: {  	_ =	shalt  }
0x76: {  	_ =	shalt  }
0x77: {  	_ =	shalt  }
0x78: {  	_ =	shalt  }
0x79: {  	_ =	shalt  }
0x7a: {  	_ =	shalt  }
0x7b: {  	_ =	shalt  }
0x7c: {  	_ =	shalt  }
0x7d: {  	_ =	shalt  }
0x7e: {  	_ =	shalt  }
0x7f: {  	_ =	shalt  }
0x80: {  	_ =	shalt  }
0x81: {  	_ =	shalt  }
0x82: {  	_ =	shalt  }
0x83: {  	_ =	shalt  }
0x84: {  	_ =	shalt  }
0x85: {  	_ =	shalt  }
0x86: {  	_ =	shalt  }
0x87: {  	_ =	shalt  }
.Lfunc_end0:
.L_simem_size_0:
called_computation_lowered:
.L_overlay_start_0:
0x88: {  	s2 =	sld [smem:$0x3FD9]  }
0x89: {  	s3 =	sld [smem:$0x3FFE];
	_ =	sdelay $0x1  }
0x8a: {  	s1 =	srdreg.scid  }
0x8b: {  	s0 =	sand.u32 $0x1, s1  }
0x8c: {  	s17 =	sshll.u32 s0, $0xA;
	s2 =	sadd.s32 s3, s2  }
0x8d: {  	s2 =	sadd.s32 s2, s17  }
0x8e: {  	[smem:$0x3FC1] =	sst s2  }
0x8f: {  	_ = 	snop  }
0x90: {  	s2 =	sld [smem:$0x3FD0];
	(tm) =	ssettm $0x1  }
0x91: {  	s18 =	sld [smem:$0x3FFB];
	_ =	sdelay $0x3  }
0x92: {  	_ =	strace s18  }
0x93: {  	s3 =	sld [smem:$0x3FFC];
	_ =	sdelay $0x3  }
0x94: {  	_ =	strace s3  }
0x95: {  	s3 =	sld [smem:$0x3FFD];
	_ =	sdelay $0x3  }
0x96: {  	_ =	strace s3  }
0x97: {  	_ =	strace $0x8FFFFFFF  }
0x98: {  	s19 =	sld [smem:$0x3FDB];
	_ =	sdelay $0x1  }
0x99: {  	s4 =	simm.s32 $_scs_section_size  }
0x9a: {  	s5 =	simm.s32 $_size__tile_overlayer_lowered;
	s6 =	simm.s32 $_tile_overlayer_lowered  }
0x9b: {  	s22 =	simm.s32 $0x1BFF;
	s21 =	sshll.u32 s6, $0x1;
	s3 =	sadd.s32 s4, s19  }
0x9c: {  	s7 =	simm.s32 $0x0;
	s20 =	sshll.u32 s5, $0x1;
	s5 =	sadd.s32 s21, s3  }
0x9d: {  	[timem:s7], [sflag:s22] =	dma.local [hbm:s5], s20  }
0x9e: {  	_ =	swait.ge [sflag:s22], s20  }
0x9f: {  	s4 =	ssub.s32 $0x0, s20;
	[sflag:s22] =	ssyncset.done $0x0  }
0xa0: {  	[sflag:s22] =	ssyncadd.s32 s4;
	_ =	sdelay $0x1  }
0xa1: {  	s23 =	simm.s32 $0x1B8B  }
0xa2: {  	_ =	swait.ge [sflag:s23], $0x1  }
0xa3: {  	[sflag:s23] =	ssyncset.done $0x0  }
0xa4: {  	s25 =	simm.s32 $0x1B8E;
	s24 =	sld [smem:$0x3FFE];
	[sflag:s23] =	ssyncadd.s32 $0xFFFFFFFF  }
0xa5: {  	s26 =	simm.s32 $execute0_lowered;
	[smem:$0x3FD2] =	sst s25  }
0xa6: {  	s5 =	sshll.u32 s26, $0x1;
	_ =	strace $0x80000046;
	[dreg:$0x1] =	wrdreg $0xFFFFFFFF  }
0xa7: {  	s28 =	simm.s32 $_size_execute0_lowered;
	s3 =	sadd.s32 s3, s5;
	[dreg:$0x0] =	wrdreg $0x0  }
0xa8: {  	s5 =	sshll.u32 s28, $0x1;
	[dreg:$0x2] =	wrdreg s3  }
0xa9: {  	[dreg:$0x3] =	wrdreg s5  }
0xaa: {  	[dreg:$0x4] =	wrdreg $0xC0  }
0xab: {  	_ =	task [dreg:s7], $0x5FFFF  }
0xac: {  	[dreg:$0x1] =	wrdreg $0xFFFFFFFF  }
0xad: {  	[dreg:$0x0] =	wrdreg $0x60  }
0xae: {  	[dreg:$0x2] =	wrdreg s24  }
0xaf: {  	[dreg:$0x3] =	wrdreg s2  }
0xb0: {  	[dreg:$0x4] =	wrdreg $0x0  }
0xb1: {  	[dreg:$0x5] =	wrdreg $0xAFC80  }
0xb2: {  	[dreg:$0x6] =	wrdreg $0x9  }
0xb3: {  	_ =	task.clear_ibuf [dreg:s7], $0x7FFFF;
	_ =	strace $0x90000046  }
0xb4: {  	s29 =	simm.s32 $0x9;
	_ =	strace $0x80000048  }
0xb5: {  	_ =	swait.ge [sflag:s29], $0x1  }
0xb6: {  	[sflag:s29] =	ssyncadd.s32 $0xFFFFFFFF  }
0xb7: {  	_ =	strace $0x90000048  }
0xb8: {  	_ =	sfence  }
0xb9: {  	s30 =	sld [smem:$0x0];
	_ =	sdelay $0x2  }
0xba: {  	s31 =	sshll.u32 s1, $0xD;
	s1 =	sshrl.u32 s1, $0x2  }
0xbb: {  	s3 =	sand.u32 $0x4000, s31;
	s1 =	sadd.s32 s1, s30  }
0xbc: {  	s0 =	sor.u32 s3, s0;
	s1 =	sshll.u32 s1, $0x11  }
0xbd: {  	s0 =	sor.u32 s1, s0  }
0xbe: {  	s0 =	sadd.s32 $0x8F2B, s0  }
0xbf: {  	[sflag:s0] =	ssyncadd.remote.s32 $0x1  }
0xc0: {  	_ =	sfence.sel $0xFFFF  }
0xc1: {  	[dreg:$0x0] =	wrdreg $0xFFFFFFFF;
	(pc) =	sbr.abs _section_cstart, $3  }
0xc2: {  	[dreg:$0x1] =	wrdreg $0xFFFFFFFF  }
0xc3: {  	_ =	task.clear_ibuf [dreg:s7], $0x2FFFF;
	_ =	strace $0x9FFFFFFF  }
0xc4: {  	(tm) =	ssettm $0x7FFFFFFF  }
0xc5: {  	_ =	shalt  }
tec
execute0_lowered:
.L_overlay_start_1:
0x0: {  	(tag) =	ssettag $0x1  }
0x1: {  	s0 =	rddreg [dreg:$0x0]  }
0x2: {  	s1 =	rddreg [dreg:$0x1]  }
0x3: {  	s3 =	srdreg.scid;
	s2 =	rddreg [dreg:$0x2]  }
0x4: {  	s14 =	stileid.u32;
	s4 =	simm.s32 $0x0;
	s28 =	simm.s32 $0x1AD88  }
0x5: {  	s29 =	simm.s32 $0x5;
	s30 =	simm.s32 $0x16208;
	s7 =	smul.u32 $0xAFC8, s14  }
0x6: {  	s5 =	sand.u32 $0x1, s3;
	s3 =	rddreg [dreg:$0x3];
	s9 =	smul.u32 $0xB1C0, s14  }
0x7: {  	s31 =	simm.s32 $0x4;
	[smem:$0x7FF] =	sst s4;
	s17 =	smul.u32 $0xA400, s14  }
0x8: {  	s12 =	sadd.s32 $0xE00, s0;
	s16 =	sshll.u32 s14, $0x6;
	s21 =	smul.u32 $0x1480, s14  }
0x9: {  	s6 =	smul.u32 $0xAFC80, s5;
	_ =	strace $0x80000047;
	s8 =	ssub.s32 $0x2, s5  }
0xa: {  	s5 =	smul.u32 $0xB1C00, s5;
	s10 =	sshrl.u32 s9, $0x3;
	s11 =	sshrl.u32 s8, $0x1  }
0xb: {  	s13 =	sadd.s32 s9, s3;
	s18 =	sshrl.u32 s17, $0x3;
	s24 =	sadd.s32 s21, s12  }
0xc: {  	s17 =	simm.s32 $0x16188;
	s21 =	simm.s32 $0x1;
	s6 =	sadd.s32 s7, s6  }
0xd: {  	s15 =	ssub.s32 s8, s11;
	s7 =	sadd.s32 s7, s2;
	s19 =	sadd.s32 s12, s18  }
0xe: {  	s20 =	sadd.s32 s9, s5;
	[dreg:$0x5] =	wrdreg s24;
	s18 =	simm.s32 $0x16288  }
0xf: {  	s24 =	simm.s32 $0x2;
	s5 =	simm.s32 $0x16308;
	s9 =	simm.s32 $0x16408  }
0x10: {  	s11 =	simm.s32 $0x16508;
	s12 =	simm.s32 $0x0;
	s6 =	sshrl.u32 s6, $0x3  }
0x11: {  	s22 =	sadd.s32 $0x20, s19;
	s23 =	sadd.s32 $0x40, s19;
	[dreg:$0x8] =	wrdreg s19  }
0x12: {  	s8 =	sadd.s32 $0x60, s19;
	s25 =	smax.u32 s15, $0x1;
	[dreg:$0x9] =	wrdreg s22  }
0x13: {  	s26 =	sshrl.u32 s7, $0x3;
	s15 =	simm.s32 $0x9;
	[dreg:$0xa] =	wrdreg s23  }
0x14: {  	s19 =	simm.s32 $0x16388;
	s7 =	simm.s32 $0x7;
	[dreg:$0xb] =	wrdreg s8  }
0x15: {  	s6 =	sadd.s32 s6, s0;
	s0 =	sadd.s32 s10, s0;
	[dreg:$0xd] =	wrdreg s25  }
0x16: {  	[dreg:$0xe] =	wrdreg s26;
	s22 =	simm.s32 $0x80;
	s23 =	simm.s32 $0x16588  }
0x17: {  	s25 =	simm.s32 $0x18988;
	s26 =	simm.s32 $0x3;
	s6 =	sadd.s32 $0x15600, s6  }
0x18: {  	s10 =	simm.s32 $0x8;
	s0 =	sadd.s32 $0x41600, s0;
	[dreg:$0x6] =	wrdreg s6  }
0x19: {  	s6 =	sor.u32 $0x1C09, s16;
	[dreg:$0x7] =	wrdreg s0;
	s0 =	sshrl.u32 s20, $0x3  }
0x1a: {  	s16 =	sshrl.u32 s13, $0x3;
	s20 =	simm.s32 $0x16488;
	s0 =	sadd.s32 s1, s0  }
0x1b: {  	s1 =	simm.s32 $0x1D188;
	[dreg:$0xc] =	wrdreg s0;
	s0 =	simm.s32 $0x6  }
.LBB2_1:
0x1c: {  	s8 =	rddreg [dreg:$0x6]  }
0x1d: {  	s13 =	rddreg [dreg:$0xe]  }
0x1e: {  	[spmem:s13], [sflag:s6] =	dma.local [hbm:s8], $0x15F9  }
0x1f: {  	_ =	swait.ge [sflag:s15], $0x15F9  }
0x20: {  	[sflag:s15] =	ssyncset.done $0x0  }
0x21: {  	s13 =	rddreg [dreg:$0x7];
	[sflag:s15] =	ssyncadd.s32 $0xFFFFEA07  }
0x22: {  	[spmem:s16], [sflag:s6] =	dma.local [hbm:s13], $0x1638  }
0x23: {  	_ =	swait.ge [sflag:s15], $0x1638  }
0x24: {  	[sflag:s15] =	ssyncset.done $0x0  }
0x25: {  	[sflag:s15] =	ssyncadd.s32 $0xFFFFE9C8  }
0x26: {  	[bflag:$0x0] =	sbarrier.arrive $0xFFFF  }
0x27: {  	s14 =	rddreg [dreg:$0x8]  }
0x28: {  	[tilespmem:s17], [sflag:$0x1] =	stream.linear.gather [hbm4b:s14+s4], $0x100, $0x38;
	[tilespmem:$0x1F588] =	vst v63  }
0x29: {  	s13 =	rddreg [dreg:$0x9]  }
0x2a: {  	[tilespmem:s18], [sflag:$0x2] =	stream.linear.gather [hbm4b:s13+s4], $0x100, $0x38;
	[tilespmem:$0x1F588] =	vst v63  }
0x2b: {  	s14 =	rddreg [dreg:$0xa]  }
0x2c: {  	[tilespmem:s19], [sflag:$0x3] =	stream.linear.gather [hbm4b:s14+s4], $0x100, $0x38;
	[tilespmem:$0x1F588] =	vst v63  }
0x2d: {  	s13 =	rddreg [dreg:$0xb]  }
0x2e: {  	[tilespmem:s20], [sflag:$0x4] =	stream.linear.gather [hbm4b:s13+s4], $0x100, $0x38;
	[tilespmem:$0x1F588] =	vst v63  }
0x2f: {  	_ =	swait.ge [sflag:s21], $0x100  }
0x30: {  	[sflag:s21] =	ssyncset.done $0x0  }
0x31: {  	[sflag:s21] =	ssyncadd.s32 $0xFFFFFF00  }
0x32: {  	[tilespmem:s23], [sflag:$0x5] =	stream.indirect.gather [spmem:s2], $0x48, s17, s22, $0xb8;
	[tilespmem:$0x1F588] =	vst v63  }
0x33: {  	_ =	swait.ge [sflag:s24], $0x100  }
0x34: {  	[sflag:s24] =	ssyncset.done $0x0  }
0x35: {  	[sflag:s24] =	ssyncadd.s32 $0xFFFFFF00  }
0x36: {  	[tilespmem:s25], [sflag:$0x6] =	stream.indirect.gather [spmem:s2], $0x48, s18, s22, $0xb8;
	[tilespmem:$0x1F588] =	vst v63  }
0x37: {  	_ =	swait.ge [sflag:s26], $0x100  }
0x38: {  	[sflag:s26] =	ssyncset.done $0x0  }
0x39: {  	[sflag:s26] =	ssyncadd.s32 $0xFFFFFF00  }
0x3a: {  	[tilespmem:s28], [sflag:$0x7] =	stream.indirect.gather [spmem:s2], $0x48, s19, s22, $0xb8;
	[tilespmem:$0x1F588] =	vst v63  }
0x3b: {  	_ =	swait.ge [sflag:s29], $0x2400  }
0x3c: {  	[sflag:s29] =	ssyncset.done $0x0  }
0x3d: {  	[sflag:s29] =	ssyncadd.s32 $0xFFFFDC00  }
0x3e: {  	[spmem:s3] =	stream.indirect.scatter.add.f32 [tilespmem:s23], [sflag:$0x9], $0x48, s30, s22, $0xb8;
	[tilespmem:$0x1F588] =	vst v63  }
0x3f: {  	_ =	swait.ge [sflag:s15], $0x2400  }
0x40: {  	s14 =	rddreg [dreg:$0x5]  }
0x41: {  	[sflag:s15] =	ssyncset.done $0x0;
	s13 =	sadd.s32 $0xFFFFEC00, s14  }
0x42: {  	[sflag:s15] =	ssyncadd.s32 $0xFFFFDC00;
	s14 =	sadd.s32 $0x1480, s13  }
0x43: {  	[tilespmem:s17], [sflag:$0x1] =	stream.linear.gather [hbm4b:s14+s4], $0x100, $0x38;
	[tilespmem:$0x1F588] =	vst v63  }
0x44: {  	_ =	swait.ge [sflag:s31], $0x100  }
0x45: {  	[sflag:s31] =	ssyncset.done $0x0  }
0x46: {  	[sflag:s31] =	ssyncadd.s32 $0xFFFFFF00  }
0x47: {  	[tilespmem:s1], [sflag:$0x8] =	stream.indirect.gather [spmem:s2], $0x48, s20, s22, $0xb8;
	[tilespmem:$0x1F588] =	vst v63  }
0x48: {  	_ =	swait.ge [sflag:s0], $0x2400  }
0x49: {  	[sflag:s0] =	ssyncset.done $0x0  }
0x4a: {  	[sflag:s0] =	ssyncadd.s32 $0xFFFFDC00  }
0x4b: {  	[spmem:s3] =	stream.indirect.scatter.add.f32 [tilespmem:s25], [sflag:$0x9], $0x48, s5, s22, $0xb8;
	[tilespmem:$0x1F588] =	vst v63  }
0x4c: {  	_ =	swait.ge [sflag:s15], $0x2400  }
0x4d: {  	[sflag:s15] =	ssyncset.done $0x0  }
0x4e: {  	s8 =	sadd.s32 $0x14A0, s13;
	[sflag:s15] =	ssyncadd.s32 $0xFFFFDC00  }
0x4f: {  	[tilespmem:s18], [sflag:$0x2] =	stream.linear.gather [hbm4b:s8+s4], $0x100, $0x38;
	[tilespmem:$0x1F588] =	vst v63  }
0x50: {  	_ =	swait.ge [sflag:s21], $0x100  }
0x51: {  	[sflag:s21] =	ssyncset.done $0x0  }
0x52: {  	[sflag:s21] =	ssyncadd.s32 $0xFFFFFF00  }
0x53: {  	[tilespmem:s23], [sflag:$0x5] =	stream.indirect.gather [spmem:s2], $0x48, s17, s22, $0xb8;
	[tilespmem:$0x1F588] =	vst v63  }
0x54: {  	_ =	swait.ge [sflag:s7], $0x2400  }
0x55: {  	[sflag:s7] =	ssyncset.done $0x0  }
0x56: {  	[sflag:s7] =	ssyncadd.s32 $0xFFFFDC00  }
0x57: {  	[spmem:s3] =	stream.indirect.scatter.add.f32 [tilespmem:s28], [sflag:$0x9], $0x48, s9, s22, $0xb8;
	[tilespmem:$0x1F588] =	vst v63  }
0x58: {  	_ =	swait.ge [sflag:s15], $0x2400  }
0x59: {  	[sflag:s15] =	ssyncset.done $0x0  }
0x5a: {  	s8 =	sadd.s32 $0x14C0, s13;
	[sflag:s15] =	ssyncadd.s32 $0xFFFFDC00  }
0x5b: {  	[tilespmem:s19], [sflag:$0x3] =	stream.linear.gather [hbm4b:s8+s4], $0x100, $0x38;
	[tilespmem:$0x1F588] =	vst v63  }
0x5c: {  	_ =	swait.ge [sflag:s24], $0x100  }
0x5d: {  	[sflag:s24] =	ssyncset.done $0x0  }
0x5e: {  	[sflag:s24] =	ssyncadd.s32 $0xFFFFFF00  }
0x5f: {  	[tilespmem:s25], [sflag:$0x6] =	stream.indirect.gather [spmem:s2], $0x48, s18, s22, $0xb8;
	[tilespmem:$0x1F588] =	vst v63  }
0x60: {  	_ =	swait.ge [sflag:s10], $0x2400  }
0x61: {  	[sflag:s10] =	ssyncset.done $0x0  }
0x62: {  	[sflag:s10] =	ssyncadd.s32 $0xFFFFDC00  }
0x63: {  	[spmem:s3] =	stream.indirect.scatter.add.f32 [tilespmem:s1], [sflag:$0x9], $0x48, s11, s22, $0xb8;
	[tilespmem:$0x1F588] =	vst v63  }
0x64: {  	_ =	swait.ge [sflag:s15], $0x2400  }
0x65: {  	[sflag:s15] =	ssyncset.done $0x0  }
0x66: {  	s13 =	sadd.s32 $0x14E0, s13;
	[sflag:s15] =	ssyncadd.s32 $0xFFFFDC00  }
0x67: {  	[tilespmem:s20], [sflag:$0x4] =	stream.linear.gather [hbm4b:s13+s4], $0x100, $0x38;
	[tilespmem:$0x1F588] =	vst v63  }
0x68: {  	_ =	swait.ge [sflag:s26], $0x100  }
0x69: {  	[sflag:s26] =	ssyncset.done $0x0  }
0x6a: {  	s13 =	simm.s32 $0xFFFFEC80;
	[sflag:s26] =	ssyncadd.s32 $0xFFFFFF00  }
.LBB2_2:
0x6b: {  	[tilespmem:s28], [sflag:$0x7] =	stream.indirect.gather [spmem:s2], $0x48, s19, s22, $0xb8;
	[tilespmem:$0x1F588] =	vst v63  }
0x6c: {  	_ =	swait.ge [sflag:s29], $0x2400  }
0x6d: {  	[sflag:s29] =	ssyncset.done $0x0  }
0x6e: {  	[sflag:s29] =	ssyncadd.s32 $0xFFFFDC00  }
0x6f: {  	[spmem:s3] =	stream.indirect.scatter.add.f32 [tilespmem:s23], [sflag:$0x9], $0x48, s30, s22, $0xb8;
	[tilespmem:$0x1F588] =	vst v63  }
0x70: {  	_ =	swait.ge [sflag:s15], $0x2400  }
0x71: {  	s14 =	smov.u32 s13;
	s8 =	rddreg [dreg:$0x5]  }
0x72: {  	[sflag:s15] =	ssyncset.done $0x0;
	s14 =	sadd.s32 s14, s8  }
0x73: {  	[sflag:s15] =	ssyncadd.s32 $0xFFFFDC00;
	s8 =	sadd.s32 $0x1480, s14  }
0x74: {  	[tilespmem:s17], [sflag:$0x1] =	stream.linear.gather [hbm4b:s8+s4], $0x100, $0x38;
	[tilespmem:$0x1F588] =	vst v63  }
0x75: {  	_ =	swait.ge [sflag:s31], $0x100  }
0x76: {  	[sflag:s31] =	ssyncset.done $0x0  }
0x77: {  	[sflag:s31] =	ssyncadd.s32 $0xFFFFFF00  }
0x78: {  	[tilespmem:s1], [sflag:$0x8] =	stream.indirect.gather [spmem:s2], $0x48, s20, s22, $0xb8;
	[tilespmem:$0x1F588] =	vst v63  }
0x79: {  	_ =	swait.ge [sflag:s0], $0x2400  }
0x7a: {  	[sflag:s0] =	ssyncset.done $0x0  }
0x7b: {  	[sflag:s0] =	ssyncadd.s32 $0xFFFFDC00  }
0x7c: {  	[spmem:s3] =	stream.indirect.scatter.add.f32 [tilespmem:s25], [sflag:$0x9], $0x48, s5, s22, $0xb8;
	[tilespmem:$0x1F588] =	vst v63  }
0x7d: {  	_ =	swait.ge [sflag:s15], $0x2400  }
0x7e: {  	[sflag:s15] =	ssyncset.done $0x0  }
0x7f: {  	s8 =	sadd.s32 $0x14A0, s14;
	[sflag:s15] =	ssyncadd.s32 $0xFFFFDC00  }
0x80: {  	[tilespmem:s18], [sflag:$0x2] =	stream.linear.gather [hbm4b:s8+s4], $0x100, $0x38;
	[tilespmem:$0x1F588] =	vst v63  }
0x81: {  	_ =	swait.ge [sflag:s21], $0x100  }
0x82: {  	[sflag:s21] =	ssyncset.done $0x0  }
0x83: {  	[sflag:s21] =	ssyncadd.s32 $0xFFFFFF00  }
0x84: {  	[tilespmem:s23], [sflag:$0x5] =	stream.indirect.gather [spmem:s2], $0x48, s17, s22, $0xb8;
	[tilespmem:$0x1F588] =	vst v63  }
0x85: {  	_ =	swait.ge [sflag:s7], $0x2400  }
0x86: {  	[sflag:s7] =	ssyncset.done $0x0  }
0x87: {  	[sflag:s7] =	ssyncadd.s32 $0xFFFFDC00  }
0x88: {  	[spmem:s3] =	stream.indirect.scatter.add.f32 [tilespmem:s28], [sflag:$0x9], $0x48, s9, s22, $0xb8;
	[tilespmem:$0x1F588] =	vst v63  }
0x89: {  	_ =	swait.ge [sflag:s15], $0x2400  }
0x8a: {  	[sflag:s15] =	ssyncset.done $0x0  }
0x8b: {  	s8 =	sadd.s32 $0x14C0, s14;
	[sflag:s15] =	ssyncadd.s32 $0xFFFFDC00  }
0x8c: {  	[tilespmem:s19], [sflag:$0x3] =	stream.linear.gather [hbm4b:s8+s4], $0x100, $0x38;
	[tilespmem:$0x1F588] =	vst v63  }
0x8d: {  	_ =	swait.ge [sflag:s24], $0x100  }
0x8e: {  	[sflag:s24] =	ssyncset.done $0x0  }
0x8f: {  	[sflag:s24] =	ssyncadd.s32 $0xFFFFFF00  }
0x90: {  	[tilespmem:s25], [sflag:$0x6] =	stream.indirect.gather [spmem:s2], $0x48, s18, s22, $0xb8;
	[tilespmem:$0x1F588] =	vst v63  }
0x91: {  	_ =	swait.ge [sflag:s10], $0x2400  }
0x92: {  	[sflag:s10] =	ssyncset.done $0x0  }
0x93: {  	[sflag:s10] =	ssyncadd.s32 $0xFFFFDC00  }
0x94: {  	[spmem:s3] =	stream.indirect.scatter.add.f32 [tilespmem:s1], [sflag:$0x9], $0x48, s11, s22, $0xb8;
	[tilespmem:$0x1F588] =	vst v63  }
0x95: {  	_ =	swait.ge [sflag:s15], $0x2400  }
0x96: {  	p0 =	sne.s32 s13, $0xFFFFFF80;
	[sflag:s15] =	ssyncset.done $0x0  }
.Ltmp0:
0x97: {  	s14 =	sadd.s32 $0x14E0, s14;
	[sflag:s15] =	ssyncadd.s32 $0xFFFFDC00;
	(pc) =	sbr.rel @p0 .LBB2_2-.Ltmp0, $4  }
0x98: {  	[tilespmem:s20], [sflag:$0x4] =	stream.linear.gather [hbm4b:s14+s4], $0x100, $0x38;
	[tilespmem:$0x1F588] =	vst v63  }
0x99: {  	_ =	swait.ge [sflag:s26], $0x100  }
0x9a: {  	[sflag:s26] =	ssyncset.done $0x0  }
0x9b: {  	s13 =	sadd.s32 $0x80, s13;
	[sflag:s26] =	ssyncadd.s32 $0xFFFFFF00  }
0x9c: {  	[tilespmem:s28], [sflag:$0x7] =	stream.indirect.gather [spmem:s2], $0x48, s19, s22, $0xb8;
	[tilespmem:$0x1F588] =	vst v63  }
0x9d: {  	_ =	swait.ge [sflag:s29], $0x2400  }
0x9e: {  	[sflag:s29] =	ssyncset.done $0x0  }
0x9f: {  	[sflag:s29] =	ssyncadd.s32 $0xFFFFDC00  }
0xa0: {  	_ =	swait.ge [sflag:s0], $0x2400  }
0xa1: {  	[sflag:s0] =	ssyncset.done $0x0  }
0xa2: {  	[sflag:s0] =	ssyncadd.s32 $0xFFFFDC00  }
0xa3: {  	_ =	swait.ge [sflag:s7], $0x2400  }
0xa4: {  	[sflag:s7] =	ssyncset.done $0x0  }
0xa5: {  	[sflag:s7] =	ssyncadd.s32 $0xFFFFDC00  }
0xa6: {  	_ =	swait.ge [sflag:s31], $0x100  }
0xa7: {  	[sflag:s31] =	ssyncset.done $0x0  }
0xa8: {  	[sflag:s31] =	ssyncadd.s32 $0xFFFFFF00  }
0xa9: {  	[bflag:$0x0] =	sbarrier.arrive $0xFFFF  }
0xaa: {  	s8 =	rddreg [dreg:$0xc]  }
0xab: {  	[hbm:s8], [sflag:s6] =	dma.local [spmem:s16], $0x1638  }
0xac: {  	_ =	swait.ge [sflag:s15], $0x1638  }
0xad: {  	s12 =	sadd.s32 $0x1, s12;
	s14 =	rddreg [dreg:$0xd]  }
0xae: {  	p0 =	sne.s32 s12, s14  }
.Ltmp1:
0xaf: {  	_ = 	snop;
	(pc) =	sbr.rel @p0 .LBB2_1-.Ltmp1, $3  }
0xb0: {  	_ =	sdelay $0x1  }
0xb1: {  	[sflag:s15] =	ssyncset.done $0x0  }
0xb2: {  	[sflag:s15] =	ssyncadd.s32 $0xFFFFE9C8  }
0xb3: {  	_ =	sfence.sel $0x180000  }
0xb4: {  	[bflag:$0x0] =	sbarrier.arrive $0xFFFF  }
0xb5: {  	_ =	strace $0x90000047  }
0xb6: {  	s0 =	stileid.u32;
	[bflag:$0x2] =	sbarrier.arrive $0xFFFF  }
0xb7: {  	p0 =	sne.s32 s0, $0x0;
	s0 =	rddreg [dreg:$0x4]  }
0xb8: {  	s0 =	sadd.s32 @!p0 $0x100000, s0  }
0xb9: {  	[sflag:s0] =	ssyncadd.tile.s32 @!p0 $0x1;
	_ =	shalt  }
.Lfunc_end2:
_tile_overlayer_lowered:
.L_overlay_start_2:
0xba: {  	(tag) =	ssettag $0x2  }
0xbb: {  	s0 =	rddreg [dreg:$0x0];
	s2 =	stileid.u32  }
0xbc: {  	s1 =	rddreg [dreg:$0x1];
	p0 =	sne.s32 s2, $0x0  }
0xbd: {  	s3 =	rddreg [dreg:$0x2];
	[bflag:$0x3] =	sbarrier.arrive $0xFFFF;
	s2 =	simm.s32 @!p0 $0x1C09  }
0xbe: {  	[timem:s3], [sflag:s2] =	dma.local @!p0 [hbm:s0], s1  }
0xbf: {  	s0 =	simm.s32 @!p0 $0x9  }
0xc0: {  	_ =	swait.ge @!p0 [sflag:s0], s1  }
0xc1: {  	s1 =	ssub.s32 @!p0 $0x0, s1;
	[sflag:s0] =	ssyncset.done @!p0 $0x0  }
0xc2: {  	[sflag:s0] =	ssyncadd.s32 @!p0 s1  }
0xc3: {  	[bflag:$0x3] =	sbarrier.arrive $0xFFFF  }
0xc4: {  	_ =	shalt  }

</sc_bundles>
